<compile_context>
chip_gen: v7x
topology: tpu7x:2x2x1
jax: 0.10.2.dev20260603
libtpu: 0.0.44.dev20260713+nightly
codegen_flags: <defaults>
</compile_context>

<pallas_src>
import functools
import jax
import jax.numpy as jnp
from jax import lax
from jax.experimental import pallas as pl
from jax.experimental.pallas import tpu as pltpu

USE_SC = True

DIM = 768
E = 8
K = 2
T = 2048
BLK = 128
NB = 40
CAP = NB * BLK
NW = 32
TPW = T // NW


def _gate_kernel(x_ref, wg_ref, pos0_ref, pos1_ref, w0_ref, w1_ref, gid_ref):
    x = x_ref[...]
    logits = jnp.dot(x, wg_ref[...], preferred_element_type=jnp.float32)
    iota_e = jax.lax.broadcasted_iota(jnp.int32, logits.shape, 1)
    v1 = jnp.max(logits, axis=1, keepdims=True)
    i1 = jnp.min(jnp.where(logits == v1, iota_e, E), axis=1, keepdims=True)
    l2 = jnp.where(iota_e == i1, -jnp.inf, logits)
    v2 = jnp.max(l2, axis=1, keepdims=True)
    i2 = jnp.min(jnp.where(l2 == v2, iota_e, E), axis=1, keepdims=True)
    wa = 1.0 / (1.0 + jnp.exp(v2 - v1))
    w0_ref[...] = wa
    w1_ref[...] = 1.0 - wa

    one1 = (i1 == iota_e).astype(jnp.float32)
    one2 = (i2 == iota_e).astype(jnp.float32)
    cnt = one1 + one2
    r = jax.lax.broadcasted_iota(jnp.int32, (T, T), 0)
    c = jax.lax.broadcasted_iota(jnp.int32, (T, T), 1)
    tri = (c < r).astype(jnp.float32)
    prev = jnp.dot(tri, cnt, preferred_element_type=jnp.float32)
    totals = prev[T - 1 : T, :] + cnt[T - 1 : T, :]
    ti = totals.astype(jnp.int32)
    padded = (((ti + (BLK - 1)) // BLK) * BLK).astype(jnp.float32)

    bstart = (
        jax.lax.broadcasted_iota(jnp.int32, (8, NB), 1).astype(jnp.float32)
        * float(BLK)
    )
    gid_acc = jnp.zeros((8, NB), jnp.float32)
    base_cols = []
    run = jnp.zeros((1, 1), jnp.float32)
    for ee in range(E):
        base_cols.append(run)
        run = run + padded[:, ee : ee + 1]
        if ee < E - 1:
            gid_acc = gid_acc + (bstart >= run).astype(jnp.float32)
    base_col = jnp.concatenate(base_cols, axis=0)
    gid_ref[...] = gid_acc.astype(jnp.int32)

    rank1 = jnp.sum(one1 * prev, axis=1, keepdims=True)
    rank2 = jnp.sum(one2 * prev, axis=1, keepdims=True) + jnp.sum(
        one2 * one1, axis=1, keepdims=True
    )
    b1 = jnp.dot(one1, base_col, preferred_element_type=jnp.float32)
    b2 = jnp.dot(one2, base_col, preferred_element_type=jnp.float32)
    pos0_ref[...] = (b1 + rank1).astype(jnp.int32)
    pos1_ref[...] = (b2 + rank2).astype(jnp.int32)


def _gate(x, Wg):
    return pl.pallas_call(
        _gate_kernel,
        out_shape=[
            jax.ShapeDtypeStruct((T, 1), jnp.int32),
            jax.ShapeDtypeStruct((T, 1), jnp.int32),
            jax.ShapeDtypeStruct((T, 1), jnp.float32),
            jax.ShapeDtypeStruct((T, 1), jnp.float32),
            jax.ShapeDtypeStruct((8, NB), jnp.int32),
        ],
    )(x, Wg)


def _gmm_kernel(gid_ref, xd_ref, wrow_ref, we_ref, ys_ref):
    ys_ref[...] = wrow_ref[...] * jnp.dot(
        xd_ref[...].astype(jnp.bfloat16),
        we_ref[0].astype(jnp.bfloat16),
        preferred_element_type=jnp.float32,
    )


def _gmm(xd, wrow, We, gid):
    grid_spec = pltpu.PrefetchScalarGridSpec(
        num_scalar_prefetch=1,
        grid=(NB,),
        in_specs=[
            pl.BlockSpec((BLK, DIM), lambda b, gid: (b, 0)),
            pl.BlockSpec((BLK, 1), lambda b, gid: (b, 0)),
            pl.BlockSpec((1, DIM, DIM), lambda b, gid: (gid[b], 0, 0)),
        ],
        out_specs=pl.BlockSpec((BLK, DIM), lambda b, gid: (b, 0)),
    )
    return pl.pallas_call(
        _gmm_kernel,
        grid_spec=grid_spec,
        out_shape=jax.ShapeDtypeStruct((CAP, DIM), jnp.float32),
    )(gid, xd, wrow.reshape(CAP, 1), We)


try:
    from jax.experimental.pallas import tpu_sc as plsc

    _mesh = plsc.VectorSubcoreMesh(core_axis_name="c", subcore_axis_name="s")

    @functools.partial(
        pl.kernel,
        mesh=_mesh,
        out_type=[
            jax.ShapeDtypeStruct((CAP, DIM), jnp.float32),
            jax.ShapeDtypeStruct((CAP,), jnp.float32),
        ],
        scratch_types=[
            pltpu.VMEM((TPW, DIM), jnp.float32),
            pltpu.VMEM((TPW,), jnp.int32),
            pltpu.VMEM((TPW,), jnp.int32),
            pltpu.VMEM((TPW,), jnp.float32),
            pltpu.VMEM((TPW,), jnp.float32),
            pltpu.SemaphoreType.DMA,
        ],
    )
    def _dispatch(
        x_hbm, pos0_hbm, pos1_hbm, w0_hbm, w1_hbm,
        xd_hbm, wrow_hbm,
        rows_v, i0_v, i1_v, w0_v, w1_v, sem,
    ):
        w = lax.axis_index("s") * 2 + lax.axis_index("c")
        base = w * TPW
        pltpu.sync_copy(x_hbm.at[pl.ds(base, TPW)], rows_v)
        pltpu.sync_copy(pos0_hbm.at[pl.ds(base, TPW)], i0_v)
        pltpu.sync_copy(pos1_hbm.at[pl.ds(base, TPW)], i1_v)
        pltpu.sync_copy(w0_hbm.at[pl.ds(base, TPW)], w0_v)
        pltpu.sync_copy(w1_hbm.at[pl.ds(base, TPW)], w1_v)
        pltpu.async_copy(rows_v, xd_hbm.at[i0_v], sem).wait()
        pltpu.async_copy(rows_v, xd_hbm.at[i1_v], sem).wait()
        pltpu.async_copy(w0_v, wrow_hbm.at[i0_v], sem).wait()
        pltpu.async_copy(w1_v, wrow_hbm.at[i1_v], sem).wait()

    @functools.partial(
        pl.kernel,
        mesh=_mesh,
        out_type=jax.ShapeDtypeStruct((T, DIM), jnp.float32),
        scratch_types=[
            pltpu.VMEM((TPW, DIM), jnp.float32),
            pltpu.VMEM((TPW, DIM), jnp.float32),
            pltpu.VMEM((TPW,), jnp.int32),
            pltpu.VMEM((TPW,), jnp.int32),
            pltpu.SemaphoreType.DMA,
            pltpu.SemaphoreType.DMA,
        ],
    )
    def _combine(ys_hbm, pos0_hbm, pos1_hbm, out_hbm, r0_v, r1_v, i0_v, i1_v, sem0, sem1):
        w = lax.axis_index("s") * 2 + lax.axis_index("c")
        base = w * TPW
        pltpu.sync_copy(pos0_hbm.at[pl.ds(base, TPW)], i0_v)
        pltpu.sync_copy(pos1_hbm.at[pl.ds(base, TPW)], i1_v)
        cp0 = pltpu.async_copy(ys_hbm.at[i0_v], r0_v, sem0)
        cp1 = pltpu.async_copy(ys_hbm.at[i1_v], r1_v, sem1)
        cp0.wait()
        cp1.wait()

        def body(i, carry):
            for j in range(DIM // 16):
                sl = pl.ds(j * 16, 16)
                r0_v[i, sl] = r0_v[i, sl] + r1_v[i, sl]
            return carry

        lax.fori_loop(0, TPW, body, 0)
        pltpu.sync_copy(r0_v, out_hbm.at[pl.ds(base, TPW)])

except Exception as _e:
    _dispatch = None
    _combine = None

if True:

    def _dispatch_jnp(x, pos0, pos1, w0, w1):
        xd = jnp.zeros((CAP, DIM), jnp.float32)
        wrow = jnp.zeros((CAP,), jnp.float32)
        p0 = pos0.reshape(-1)
        p1 = pos1.reshape(-1)
        xd = xd.at[p0].set(x).at[p1].set(x)
        wrow = wrow.at[p0].set(w0.reshape(-1)).at[p1].set(w1.reshape(-1))
        return xd, wrow

    def _combine_jnp(ys, pos0, pos1):
        return ys[pos0.reshape(-1)] + ys[pos1.reshape(-1)]


def kernel(inputs, Wg, We):
    pos0, pos1, w0, w1, gid8 = _gate(inputs, Wg)
    gid = gid8[0]
    pos0 = pos0.reshape(T)
    pos1 = pos1.reshape(T)
    w0 = w0.reshape(T)
    w1 = w1.reshape(T)
    if USE_SC:
        xd, wrow = _dispatch(inputs, pos0, pos1, w0, w1)
        ys = _gmm(xd, wrow, We, gid)
        out = _combine(ys, pos0, pos1)
    else:
        xd, wrow = _dispatch_jnp(inputs, pos0, pos1, w0, w1)
        ys = _gmm(xd, wrow, We, gid)
        out = _combine_jnp(ys, pos0, pos1)
    return out

# --- scband reference (transcript-rebuilt; emitter-appended) ---
"""Pipeline reference for scband-tt-moe-layer-29875792511046 (READ-ONLY COPY).

The authoritative reference and input builder live on the scoring server;
editing this copy changes nothing except your own understanding.
"""

import jax, jax.numpy as jnp
import numpy as np

DIM = 768
NUM_EXPERTS = 8
TOP_K = 2
NUM_TOKENS = 2048


def setup_inputs(seed: int = 0) -> dict:
    key = jax.random.key(seed)
    k0, k1, k2 = jax.random.split(key, 3)
    inputs = jax.random.normal(k0, (NUM_TOKENS, DIM), dtype=jnp.float32)
    # gate: Linear(dim -> num_experts)
    Wg = jax.random.normal(k1, (DIM, NUM_EXPERTS), dtype=jnp.float32) * 0.02
    # experts: one linear (dim -> dim) per expert/device
    We = jax.random.normal(k2, (NUM_EXPERTS, DIM, DIM), dtype=jnp.float32) * 0.02
    return {"inputs": inputs, "Wg": Wg, "We": We}


def reference(inputs, Wg, We):
    # Gate logits per token: [B, E]
    gate_logits_BO = inputs @ Wg
    # top-k expert selection per token
    weights_BK, selected_experts_BK = jax.lax.top_k(gate_logits_BO, TOP_K)
    # softmax over the top-k gate values (as in the ttnn code)
    weights_BK = jax.nn.softmax(weights_BK, axis=1)

    out_BO = jnp.zeros_like(inputs)
    # Per-device/per-expert loop: each expert processes the tokens routed to it
    # (expressed densely via masking; mathematically identical because unselected
    #  tokens receive weight 0, matching the zeros scatter in the original code),
    # then the all-gather + sum accumulates across experts.
    for e in range(NUM_EXPERTS):
        mask_BK = (selected_experts_BK == e).astype(inputs.dtype)  # [B, K]
        w_B = jnp.sum(weights_BK * mask_BK, axis=1)               # [B]
        expert_out_BO = inputs @ We[e]                            # [B, O]
        out_BO = out_BO + w_B[:, None] * expert_out_BO
    return out_BO

if __name__ == "__main__":
    import jax
    _d = setup_inputs()
    print(jax.jit(kernel)(*tuple(_d.values())))

</pallas_src>

<mosaic_0001>
#map = affine_map<(d0, d1) -> (0, 0)>
#map1 = affine_map<(d0, d1) -> (0)>
module attributes {stable_mosaic.version = 14 : i64} {
  func.func @_combine(%arg0: i32, %arg1: i32, %arg2: memref<5120x768xf32, #tpu.memory_space<hbm>>, %arg3: memref<2048xi32, #tpu.memory_space<hbm>>, %arg4: memref<2048xi32, #tpu.memory_space<hbm>>, %arg5: memref<2048x768xf32, #tpu.memory_space<hbm>>, %arg6: memref<64x768xf32, #tpu.memory_space<vmem>>, %arg7: memref<64x768xf32, #tpu.memory_space<vmem>>, %arg8: memref<64xi32, #tpu.memory_space<vmem>>, %arg9: memref<64xi32, #tpu.memory_space<vmem>>, %arg10: memref<!tpu.dma_semaphore, #tpu.memory_space<semaphore_mem>>, %arg11: memref<!tpu.dma_semaphore, #tpu.memory_space<semaphore_mem>>) attributes {dimension_semantics = [#tpu.dimension_semantics<core_parallel>, #tpu.dimension_semantics<subcore_parallel>], iteration_bounds = array<i64: 2, 16>, scalar_prefetch = 0 : i64, scratch_operands = 6 : i64, tpu.core_type = #tpu.core_type<sc_vector_subcore>, window_params = [{transform_indices = #map}, {transform_indices = #map1}, {transform_indices = #map1}, {transform_indices = #map}]} {
    %mul3A = arith.constant 2 : i32
    %mul3A_0 = arith.muli %arg1, %mul3A : i32
    %add3A = arith.addi %mul3A_0, %arg0 : i32
    %mul3A_1 = arith.constant 64 : i32
    %mul3A_2 = arith.muli %add3A, %mul3A_1 : i32
    "tpu.region"() ({
      %run_scoped3A = tpu.sem_alloc : memref<!tpu.dma_semaphore, #tpu.memory_space<semaphore_mem>>
      %dma_start3A_18 = tpu.memref_slice %arg3[%mul3A_2] : memref<2048xi32, #tpu.memory_space<hbm>> -> memref<64xi32, #tpu.memory_space<hbm>>
      %dma_start3A_19 = tpu.memref_slice %arg3[%mul3A_2] : memref<2048xi32, #tpu.memory_space<hbm>> -> memref<64xi32, #tpu.memory_space<hbm>>
      tpu.enqueue_dma source(%dma_start3A_19 : memref<64xi32, #tpu.memory_space<hbm>>) target(%arg8 : memref<64xi32, #tpu.memory_space<vmem>>) target_semaphore(%run_scoped3A : memref<!tpu.dma_semaphore, #tpu.memory_space<semaphore_mem>>)
      %dma_wait3A_20 = tpu.memref_slice %arg3[%mul3A_2] : memref<2048xi32, #tpu.memory_space<hbm>> -> memref<64xi32, #tpu.memory_space<hbm>>
      %dma_wait3A_21 = tpu.memref_slice %arg3[%mul3A_2] : memref<2048xi32, #tpu.memory_space<hbm>> -> memref<64xi32, #tpu.memory_space<hbm>>
      tpu.wait_dma2 semaphore(%run_scoped3A : memref<!tpu.dma_semaphore, #tpu.memory_space<semaphore_mem>>) src(%dma_wait3A_21 : memref<64xi32, #tpu.memory_space<hbm>>) dst(%arg8 : memref<64xi32, #tpu.memory_space<vmem>>)
      tpu.yield
    }) : () -> ()
    "tpu.region"() ({
      %run_scoped3A = tpu.sem_alloc : memref<!tpu.dma_semaphore, #tpu.memory_space<semaphore_mem>>
      %dma_start3A_18 = tpu.memref_slice %arg4[%mul3A_2] : memref<2048xi32, #tpu.memory_space<hbm>> -> memref<64xi32, #tpu.memory_space<hbm>>
      %dma_start3A_19 = tpu.memref_slice %arg4[%mul3A_2] : memref<2048xi32, #tpu.memory_space<hbm>> -> memref<64xi32, #tpu.memory_space<hbm>>
      tpu.enqueue_dma source(%dma_start3A_19 : memref<64xi32, #tpu.memory_space<hbm>>) target(%arg9 : memref<64xi32, #tpu.memory_space<vmem>>) target_semaphore(%run_scoped3A : memref<!tpu.dma_semaphore, #tpu.memory_space<semaphore_mem>>)
      %dma_wait3A_20 = tpu.memref_slice %arg4[%mul3A_2] : memref<2048xi32, #tpu.memory_space<hbm>> -> memref<64xi32, #tpu.memory_space<hbm>>
      %dma_wait3A_21 = tpu.memref_slice %arg4[%mul3A_2] : memref<2048xi32, #tpu.memory_space<hbm>> -> memref<64xi32, #tpu.memory_space<hbm>>
      tpu.wait_dma2 semaphore(%run_scoped3A : memref<!tpu.dma_semaphore, #tpu.memory_space<semaphore_mem>>) src(%dma_wait3A_21 : memref<64xi32, #tpu.memory_space<hbm>>) dst(%arg9 : memref<64xi32, #tpu.memory_space<vmem>>)
      tpu.yield
    }) : () -> ()
    %dma_start3A = arith.constant 0 : i32
    %dma_start3A_3 = arith.constant 0 : i32
    %dma_start3A_4 = tpu.memref_slice %arg2[%dma_start3A, %dma_start3A_3] : memref<5120x768xf32, #tpu.memory_space<hbm>> -> memref<5120x768xf32, #tpu.memory_space<hbm>>
    tpu.enqueue_indirect_dma source(%dma_start3A_4 : memref<5120x768xf32, #tpu.memory_space<hbm>>) target(%arg6 : memref<64x768xf32, #tpu.memory_space<vmem>>) offsets(%arg8 : memref<64xi32, #tpu.memory_space<vmem>>) semaphore(%arg10 : memref<!tpu.dma_semaphore, #tpu.memory_space<semaphore_mem>>)
    %dma_start3A_5 = arith.constant 0 : i32
    %dma_start3A_6 = arith.constant 0 : i32
    %dma_start3A_7 = tpu.memref_slice %arg2[%dma_start3A_5, %dma_start3A_6] : memref<5120x768xf32, #tpu.memory_space<hbm>> -> memref<5120x768xf32, #tpu.memory_space<hbm>>
    tpu.enqueue_indirect_dma source(%dma_start3A_7 : memref<5120x768xf32, #tpu.memory_space<hbm>>) target(%arg7 : memref<64x768xf32, #tpu.memory_space<vmem>>) offsets(%arg9 : memref<64xi32, #tpu.memory_space<vmem>>) semaphore(%arg11 : memref<!tpu.dma_semaphore, #tpu.memory_space<semaphore_mem>>)
    %dma_wait3A = arith.constant 0 : i32
    %dma_wait3A_8 = arith.constant 0 : i32
    %dma_wait3A_9 = tpu.memref_slice %arg2[%dma_wait3A, %dma_wait3A_8] : memref<5120x768xf32, #tpu.memory_space<hbm>> -> memref<5120x768xf32, #tpu.memory_space<hbm>>
    tpu.wait_indirect_dma semaphore(%arg10 : memref<!tpu.dma_semaphore, #tpu.memory_space<semaphore_mem>>) src(%dma_wait3A_9 : memref<5120x768xf32, #tpu.memory_space<hbm>>) dst(%arg6 : memref<64x768xf32, #tpu.memory_space<vmem>>)
    %dma_wait3A_10 = arith.constant 0 : i32
    %dma_wait3A_11 = arith.constant 0 : i32
    %dma_wait3A_12 = tpu.memref_slice %arg2[%dma_wait3A_10, %dma_wait3A_11] : memref<5120x768xf32, #tpu.memory_space<hbm>> -> memref<5120x768xf32, #tpu.memory_space<hbm>>
    tpu.wait_indirect_dma semaphore(%arg11 : memref<!tpu.dma_semaphore, #tpu.memory_space<semaphore_mem>>) src(%dma_wait3A_12 : memref<5120x768xf32, #tpu.memory_space<hbm>>) dst(%arg7 : memref<64x768xf32, #tpu.memory_space<vmem>>)
    %scan3A = arith.constant 0 : i32
    %scan3A_13 = arith.constant 0 : i32
    %scan3A_14 = arith.constant 64 : i32
    %scan3A_15 = arith.addi %scan3A_13, %scan3A_14 : i32
    %scan3A_16 = arith.constant 1 : i32
    scf.for %scan3A_18 = %scan3A_13 to %scan3A_15 step %scan3A_16  : i32 {
      %get3A = arith.index_cast %scan3A_18 : i32 to index
      %get3A_19 = arith.constant 0 : index
      %get3A_20 = tpu.vector_load %arg6[%get3A, %get3A_19] {strides = array<i32>} : memref<64x768xf32, #tpu.memory_space<vmem>>, vector<1x16xf32>,
      %get3A_21 = vector.shape_cast %get3A_20 : vector<1x16xf32> to vector<16xf32>
      %get3A_22 = arith.index_cast %scan3A_18 : i32 to index
      %get3A_23 = arith.constant 0 : index
      %get3A_24 = tpu.vector_load %arg7[%get3A_22, %get3A_23] {strides = array<i32>} : memref<64x768xf32, #tpu.memory_space<vmem>>, vector<1x16xf32>,
      %get3A_25 = vector.shape_cast %get3A_24 : vector<1x16xf32> to vector<16xf32>
      %add3A_26 = arith.addf %get3A_21, %get3A_25 : vector<16xf32>
      %swap3A = arith.index_cast %scan3A_18 : i32 to index
      %swap3A_27 = arith.constant 0 : index
      %swap3A_28 = tpu.vector_load %arg6[%swap3A, %swap3A_27] {strides = array<i32>} : memref<64x768xf32, #tpu.memory_space<vmem>>, vector<1x16xf32>,
      %swap3A_29 = vector.shape_cast %swap3A_28 : vector<1x16xf32> to vector<16xf32>
      %swap3A_30 = vector.shape_cast %add3A_26 : vector<16xf32> to vector<1x16xf32>
      tpu.vector_store %arg6[%swap3A, %swap3A_27], %swap3A_30 {strides = array<i32>} : memref<64x768xf32, #tpu.memory_space<vmem>>, vector<1x16xf32>,
      %get3A_31 = arith.index_cast %scan3A_18 : i32 to index
      %get3A_32 = arith.constant 16 : index
      %get3A_33 = tpu.vector_load %arg6[%get3A_31, %get3A_32] {strides = array<i32>} : memref<64x768xf32, #tpu.memory_space<vmem>>, vector<1x16xf32>,
      %get3A_34 = vector.shape_cast %get3A_33 : vector<1x16xf32> to vector<16xf32>
      %get3A_35 = arith.index_cast %scan3A_18 : i32 to index
      %get3A_36 = arith.constant 16 : index
      %get3A_37 = tpu.vector_load %arg7[%get3A_35, %get3A_36] {strides = array<i32>} : memref<64x768xf32, #tpu.memory_space<vmem>>, vector<1x16xf32>,
      %get3A_38 = vector.shape_cast %get3A_37 : vector<1x16xf32> to vector<16xf32>
      %add3A_39 = arith.addf %get3A_34, %get3A_38 : vector<16xf32>
      %swap3A_40 = arith.index_cast %scan3A_18 : i32 to index
      %swap3A_41 = arith.constant 16 : index
      %swap3A_42 = tpu.vector_load %arg6[%swap3A_40, %swap3A_41] {strides = array<i32>} : memref<64x768xf32, #tpu.memory_space<vmem>>, vector<1x16xf32>,
      %swap3A_43 = vector.shape_cast %swap3A_42 : vector<1x16xf32> to vector<16xf32>
      %swap3A_44 = vector.shape_cast %add3A_39 : vector<16xf32> to vector<1x16xf32>
      tpu.vector_store %arg6[%swap3A_40, %swap3A_41], %swap3A_44 {strides = array<i32>} : memref<64x768xf32, #tpu.memory_space<vmem>>, vector<1x16xf32>,
      %get3A_45 = arith.index_cast %scan3A_18 : i32 to index
      %get3A_46 = arith.constant 32 : index
      %get3A_47 = tpu.vector_load %arg6[%get3A_45, %get3A_46] {strides = array<i32>} : memref<64x768xf32, #tpu.memory_space<vmem>>, vector<1x16xf32>,
      %get3A_48 = vector.shape_cast %get3A_47 : vector<1x16xf32> to vector<16xf32>
      %get3A_49 = arith.index_cast %scan3A_18 : i32 to index
      %get3A_50 = arith.constant 32 : index
      %get3A_51 = tpu.vector_load %arg7[%get3A_49, %get3A_50] {strides = array<i32>} : memref<64x768xf32, #tpu.memory_space<vmem>>, vector<1x16xf32>,
      %get3A_52 = vector.shape_cast %get3A_51 : vector<1x16xf32> to vector<16xf32>
      %add3A_53 = arith.addf %get3A_48, %get3A_52 : vector<16xf32>
      %swap3A_54 = arith.index_cast %scan3A_18 : i32 to index
      %swap3A_55 = arith.constant 32 : index
      %swap3A_56 = tpu.vector_load %arg6[%swap3A_54, %swap3A_55] {strides = array<i32>} : memref<64x768xf32, #tpu.memory_space<vmem>>, vector<1x16xf32>,
      %swap3A_57 = vector.shape_cast %swap3A_56 : vector<1x16xf32> to vector<16xf32>
      %swap3A_58 = vector.shape_cast %add3A_53 : vector<16xf32> to vector<1x16xf32>
      tpu.vector_store %arg6[%swap3A_54, %swap3A_55], %swap3A_58 {strides = array<i32>} : memref<64x768xf32, #tpu.memory_space<vmem>>, vector<1x16xf32>,
      %get3A_59 = arith.index_cast %scan3A_18 : i32 to index
      %get3A_60 = arith.constant 48 : index
      %get3A_61 = tpu.vector_load %arg6[%get3A_59, %get3A_60] {strides = array<i32>} : memref<64x768xf32, #tpu.memory_space<vmem>>, vector<1x16xf32>,
      %get3A_62 = vector.shape_cast %get3A_61 : vector<1x16xf32> to vector<16xf32>
      %get3A_63 = arith.index_cast %scan3A_18 : i32 to index
      %get3A_64 = arith.constant 48 : index
      %get3A_65 = tpu.vector_load %arg7[%get3A_63, %get3A_64] {strides = array<i32>} : memref<64x768xf32, #tpu.memory_space<vmem>>, vector<1x16xf32>,
      %get3A_66 = vector.shape_cast %get3A_65 : vector<1x16xf32> to vector<16xf32>
      %add3A_67 = arith.addf %get3A_62, %get3A_66 : vector<16xf32>
      %swap3A_68 = arith.index_cast %scan3A_18 : i32 to index
      %swap3A_69 = arith.constant 48 : index
      %swap3A_70 = tpu.vector_load %arg6[%swap3A_68, %swap3A_69] {strides = array<i32>} : memref<64x768xf32, #tpu.memory_space<vmem>>, vector<1x16xf32>,
      %swap3A_71 = vector.shape_cast %swap3A_70 : vector<1x16xf32> to vector<16xf32>
      %swap3A_72 = vector.shape_cast %add3A_67 : vector<16xf32> to vector<1x16xf32>
      tpu.vector_store %arg6[%swap3A_68, %swap3A_69], %swap3A_72 {strides = array<i32>} : memref<64x768xf32, #tpu.memory_space<vmem>>, vector<1x16xf32>,
      %get3A_73 = arith.index_cast %scan3A_18 : i32 to index
      %get3A_74 = arith.constant 64 : index
      %get3A_75 = tpu.vector_load %arg6[%get3A_73, %get3A_74] {strides = array<i32>} : memref<64x768xf32, #tpu.memory_space<vmem>>, vector<1x16xf32>,
      %get3A_76 = vector.shape_cast %get3A_75 : vector<1x16xf32> to vector<16xf32>
      %get3A_77 = arith.index_cast %scan3A_18 : i32 to index
      %get3A_78 = arith.constant 64 : index
      %get3A_79 = tpu.vector_load %arg7[%get3A_77, %get3A_78] {strides = array<i32>} : memref<64x768xf32, #tpu.memory_space<vmem>>, vector<1x16xf32>,
      %get3A_80 = vector.shape_cast %get3A_79 : vector<1x16xf32> to vector<16xf32>
      %add3A_81 = arith.addf %get3A_76, %get3A_80 : vector<16xf32>
      %swap3A_82 = arith.index_cast %scan3A_18 : i32 to index
      %swap3A_83 = arith.constant 64 : index
      %swap3A_84 = tpu.vector_load %arg6[%swap3A_82, %swap3A_83] {strides = array<i32>} : memref<64x768xf32, #tpu.memory_space<vmem>>, vector<1x16xf32>,
      %swap3A_85 = vector.shape_cast %swap3A_84 : vector<1x16xf32> to vector<16xf32>
      %swap3A_86 = vector.shape_cast %add3A_81 : vector<16xf32> to vector<1x16xf32>
      tpu.vector_store %arg6[%swap3A_82, %swap3A_83], %swap3A_86 {strides = array<i32>} : memref<64x768xf32, #tpu.memory_space<vmem>>, vector<1x16xf32>,
      %get3A_87 = arith.index_cast %scan3A_18 : i32 to index
      %get3A_88 = arith.constant 80 : index
      %get3A_89 = tpu.vector_load %arg6[%get3A_87, %get3A_88] {strides = array<i32>} : memref<64x768xf32, #tpu.memory_space<vmem>>, vector<1x16xf32>,
      %get3A_90 = vector.shape_cast %get3A_89 : vector<1x16xf32> to vector<16xf32>
      %get3A_91 = arith.index_cast %scan3A_18 : i32 to index
      %get3A_92 = arith.constant 80 : index
      %get3A_93 = tpu.vector_load %arg7[%get3A_91, %get3A_92] {strides = array<i32>} : memref<64x768xf32, #tpu.memory_space<vmem>>, vector<1x16xf32>,
      %get3A_94 = vector.shape_cast %get3A_93 : vector<1x16xf32> to vector<16xf32>
      %add3A_95 = arith.addf %get3A_90, %get3A_94 : vector<16xf32>
      %swap3A_96 = arith.index_cast %scan3A_18 : i32 to index
      %swap3A_97 = arith.constant 80 : index
      %swap3A_98 = tpu.vector_load %arg6[%swap3A_96, %swap3A_97] {strides = array<i32>} : memref<64x768xf32, #tpu.memory_space<vmem>>, vector<1x16xf32>,
      %swap3A_99 = vector.shape_cast %swap3A_98 : vector<1x16xf32> to vector<16xf32>
      %swap3A_100 = vector.shape_cast %add3A_95 : vector<16xf32> to vector<1x16xf32>
      tpu.vector_store %arg6[%swap3A_96, %swap3A_97], %swap3A_100 {strides = array<i32>} : memref<64x768xf32, #tpu.memory_space<vmem>>, vector<1x16xf32>,
      %get3A_101 = arith.index_cast %scan3A_18 : i32 to index
      %get3A_102 = arith.constant 96 : index
      %get3A_103 = tpu.vector_load %arg6[%get3A_101, %get3A_102] {strides = array<i32>} : memref<64x768xf32, #tpu.memory_space<vmem>>, vector<1x16xf32>,
      %get3A_104 = vector.shape_cast %get3A_103 : vector<1x16xf32> to vector<16xf32>
      %get3A_105 = arith.index_cast %scan3A_18 : i32 to index
      %get3A_106 = arith.constant 96 : index
      %get3A_107 = tpu.vector_load %arg7[%get3A_105, %get3A_106] {strides = array<i32>} : memref<64x768xf32, #tpu.memory_space<vmem>>, vector<1x16xf32>,
      %get3A_108 = vector.shape_cast %get3A_107 : vector<1x16xf32> to vector<16xf32>
      %add3A_109 = arith.addf %get3A_104, %get3A_108 : vector<16xf32>
      %swap3A_110 = arith.index_cast %scan3A_18 : i32 to index
      %swap3A_111 = arith.constant 96 : index
      %swap3A_112 = tpu.vector_load %arg6[%swap3A_110, %swap3A_111] {strides = array<i32>} : memref<64x768xf32, #tpu.memory_space<vmem>>, vector<1x16xf32>,
      %swap3A_113 = vector.shape_cast %swap3A_112 : vector<1x16xf32> to vector<16xf32>
      %swap3A_114 = vector.shape_cast %add3A_109 : vector<16xf32> to vector<1x16xf32>
      tpu.vector_store %arg6[%swap3A_110, %swap3A_111], %swap3A_114 {strides = array<i32>} : memref<64x768xf32, #tpu.memory_space<vmem>>, vector<1x16xf32>,
      %get3A_115 = arith.index_cast %scan3A_18 : i32 to index
      %get3A_116 = arith.constant 112 : index
      %get3A_117 = tpu.vector_load %arg6[%get3A_115, %get3A_116] {strides = array<i32>} : memref<64x768xf32, #tpu.memory_space<vmem>>, vector<1x16xf32>,
      %get3A_118 = vector.shape_cast %get3A_117 : vector<1x16xf32> to vector<16xf32>
      %get3A_119 = arith.index_cast %scan3A_18 : i32 to index
      %get3A_120 = arith.constant 112 : index
      %get3A_121 = tpu.vector_load %arg7[%get3A_119, %get3A_120] {strides = array<i32>} : memref<64x768xf32, #tpu.memory_space<vmem>>, vector<1x16xf32>,
      %get3A_122 = vector.shape_cast %get3A_121 : vector<1x16xf32> to vector<16xf32>
      %add3A_123 = arith.addf %get3A_118, %get3A_122 : vector<16xf32>
      %swap3A_124 = arith.index_cast %scan3A_18 : i32 to index
      %swap3A_125 = arith.constant 112 : index
      %swap3A_126 = tpu.vector_load %arg6[%swap3A_124, %swap3A_125] {strides = array<i32>} : memref<64x768xf32, #tpu.memory_space<vmem>>, vector<1x16xf32>,
      %swap3A_127 = vector.shape_cast %swap3A_126 : vector<1x16xf32> to vector<16xf32>
      %swap3A_128 = vector.shape_cast %add3A_123 : vector<16xf32> to vector<1x16xf32>
      tpu.vector_store %arg6[%swap3A_124, %swap3A_125], %swap3A_128 {strides = array<i32>} : memref<64x768xf32, #tpu.memory_space<vmem>>, vector<1x16xf32>,
      %get3A_129 = arith.index_cast %scan3A_18 : i32 to index
      %get3A_130 = arith.constant 128 : index
      %get3A_131 = tpu.vector_load %arg6[%get3A_129, %get3A_130] {strides = array<i32>} : memref<64x768xf32, #tpu.memory_space<vmem>>, vector<1x16xf32>,
      %get3A_132 = vector.shape_cast %get3A_131 : vector<1x16xf32> to vector<16xf32>
      %get3A_133 = arith.index_cast %scan3A_18 : i32 to index
      %get3A_134 = arith.constant 128 : index
      %get3A_135 = tpu.vector_load %arg7[%get3A_133, %get3A_134] {strides = array<i32>} : memref<64x768xf32, #tpu.memory_space<vmem>>, vector<1x16xf32>,
      %get3A_136 = vector.shape_cast %get3A_135 : vector<1x16xf32> to vector<16xf32>
      %add3A_137 = arith.addf %get3A_132, %get3A_136 : vector<16xf32>
      %swap3A_138 = arith.index_cast %scan3A_18 : i32 to index
      %swap3A_139 = arith.constant 128 : index
      %swap3A_140 = tpu.vector_load %arg6[%swap3A_138, %swap3A_139] {strides = array<i32>} : memref<64x768xf32, #tpu.memory_space<vmem>>, vector<1x16xf32>,
      %swap3A_141 = vector.shape_cast %swap3A_140 : vector<1x16xf32> to vector<16xf32>
      %swap3A_142 = vector.shape_cast %add3A_137 : vector<16xf32> to vector<1x16xf32>
      tpu.vector_store %arg6[%swap3A_138, %swap3A_139], %swap3A_142 {strides = array<i32>} : memref<64x768xf32, #tpu.memory_space<vmem>>, vector<1x16xf32>,
      %get3A_143 = arith.index_cast %scan3A_18 : i32 to index
      %get3A_144 = arith.constant 144 : index
      %get3A_145 = tpu.vector_load %arg6[%get3A_143, %get3A_144] {strides = array<i32>} : memref<64x768xf32, #tpu.memory_space<vmem>>, vector<1x16xf32>,
      %get3A_146 = vector.shape_cast %get3A_145 : vector<1x16xf32> to vector<16xf32>
      %get3A_147 = arith.index_cast %scan3A_18 : i32 to index
      %get3A_148 = arith.constant 144 : index
      %get3A_149 = tpu.vector_load %arg7[%get3A_147, %get3A_148] {strides = array<i32>} : memref<64x768xf32, #tpu.memory_space<vmem>>, vector<1x16xf32>,
      %get3A_150 = vector.shape_cast %get3A_149 : vector<1x16xf32> to vector<16xf32>
      %add3A_151 = arith.addf %get3A_146, %get3A_150 : vector<16xf32>
      %swap3A_152 = arith.index_cast %scan3A_18 : i32 to index
      %swap3A_153 = arith.constant 144 : index
      %swap3A_154 = tpu.vector_load %arg6[%swap3A_152, %swap3A_153] {strides = array<i32>} : memref<64x768xf32, #tpu.memory_space<vmem>>, vector<1x16xf32>,
      %swap3A_155 = vector.shape_cast %swap3A_154 : vector<1x16xf32> to vector<16xf32>
      %swap3A_156 = vector.shape_cast %add3A_151 : vector<16xf32> to vector<1x16xf32>
      tpu.vector_store %arg6[%swap3A_152, %swap3A_153], %swap3A_156 {strides = array<i32>} : memref<64x768xf32, #tpu.memory_space<vmem>>, vector<1x16xf32>,
      %get3A_157 = arith.index_cast %scan3A_18 : i32 to index
      %get3A_158 = arith.constant 160 : index
      %get3A_159 = tpu.vector_load %arg6[%get3A_157, %get3A_158] {strides = array<i32>} : memref<64x768xf32, #tpu.memory_space<vmem>>, vector<1x16xf32>,
      %get3A_160 = vector.shape_cast %get3A_159 : vector<1x16xf32> to vector<16xf32>
      %get3A_161 = arith.index_cast %scan3A_18 : i32 to index
      %get3A_162 = arith.constant 160 : index
      %get3A_163 = tpu.vector_load %arg7[%get3A_161, %get3A_162] {strides = array<i32>} : memref<64x768xf32, #tpu.memory_space<vmem>>, vector<1x16xf32>,
      %get3A_164 = vector.shape_cast %get3A_163 : vector<1x16xf32> to vector<16xf32>
      %add3A_165 = arith.addf %get3A_160, %get3A_164 : vector<16xf32>
      %swap3A_166 = arith.index_cast %scan3A_18 : i32 to index
      %swap3A_167 = arith.constant 160 : index
      %swap3A_168 = tpu.vector_load %arg6[%swap3A_166, %swap3A_167] {strides = array<i32>} : memref<64x768xf32, #tpu.memory_space<vmem>>, vector<1x16xf32>,
      %swap3A_169 = vector.shape_cast %swap3A_168 : vector<1x16xf32> to vector<16xf32>
      %swap3A_170 = vector.shape_cast %add3A_165 : vector<16xf32> to vector<1x16xf32>
      tpu.vector_store %arg6[%swap3A_166, %swap3A_167], %swap3A_170 {strides = array<i32>} : memref<64x768xf32, #tpu.memory_space<vmem>>, vector<1x16xf32>,
      %get3A_171 = arith.index_cast %scan3A_18 : i32 to index
      %get3A_172 = arith.constant 176 : index
      %get3A_173 = tpu.vector_load %arg6[%get3A_171, %get3A_172] {strides = array<i32>} : memref<64x768xf32, #tpu.memory_space<vmem>>, vector<1x16xf32>,
      %get3A_174 = vector.shape_cast %get3A_173 : vector<1x16xf32> to vector<16xf32>
      %get3A_175 = arith.index_cast %scan3A_18 : i32 to index
      %get3A_176 = arith.constant 176 : index
      %get3A_177 = tpu.vector_load %arg7[%get3A_175, %get3A_176] {strides = array<i32>} : memref<64x768xf32, #tpu.memory_space<vmem>>, vector<1x16xf32>,
      %get3A_178 = vector.shape_cast %get3A_177 : vector<1x16xf32> to vector<16xf32>
      %add3A_179 = arith.addf %get3A_174, %get3A_178 : vector<16xf32>
      %swap3A_180 = arith.index_cast %scan3A_18 : i32 to index
      %swap3A_181 = arith.constant 176 : index
      %swap3A_182 = tpu.vector_load %arg6[%swap3A_180, %swap3A_181] {strides = array<i32>} : memref<64x768xf32, #tpu.memory_space<vmem>>, vector<1x16xf32>,
      %swap3A_183 = vector.shape_cast %swap3A_182 : vector<1x16xf32> to vector<16xf32>
      %swap3A_184 = vector.shape_cast %add3A_179 : vector<16xf32> to vector<1x16xf32>
      tpu.vector_store %arg6[%swap3A_180, %swap3A_181], %swap3A_184 {strides = array<i32>} : memref<64x768xf32, #tpu.memory_space<vmem>>, vector<1x16xf32>,
      %get3A_185 = arith.index_cast %scan3A_18 : i32 to index
      %get3A_186 = arith.constant 192 : index
      %get3A_187 = tpu.vector_load %arg6[%get3A_185, %get3A_186] {strides = array<i32>} : memref<64x768xf32, #tpu.memory_space<vmem>>, vector<1x16xf32>,
      %get3A_188 = vector.shape_cast %get3A_187 : vector<1x16xf32> to vector<16xf32>
      %get3A_189 = arith.index_cast %scan3A_18 : i32 to index
      %get3A_190 = arith.constant 192 : index
      %get3A_191 = tpu.vector_load %arg7[%get3A_189, %get3A_190] {strides = array<i32>} : memref<64x768xf32, #tpu.memory_space<vmem>>, vector<1x16xf32>,
      %get3A_192 = vector.shape_cast %get3A_191 : vector<1x16xf32> to vector<16xf32>
      %add3A_193 = arith.addf %get3A_188, %get3A_192 : vector<16xf32>
      %swap3A_194 = arith.index_cast %scan3A_18 : i32 to index
      %swap3A_195 = arith.constant 192 : index
      %swap3A_196 = tpu.vector_load %arg6[%swap3A_194, %swap3A_195] {strides = array<i32>} : memref<64x768xf32, #tpu.memory_space<vmem>>, vector<1x16xf32>,
      %swap3A_197 = vector.shape_cast %swap3A_196 : vector<1x16xf32> to vector<16xf32>
      %swap3A_198 = vector.shape_cast %add3A_193 : vector<16xf32> to vector<1x16xf32>
      tpu.vector_store %arg6[%swap3A_194, %swap3A_195], %swap3A_198 {strides = array<i32>} : memref<64x768xf32, #tpu.memory_space<vmem>>, vector<1x16xf32>,
      %get3A_199 = arith.index_cast %scan3A_18 : i32 to index
      %get3A_200 = arith.constant 208 : index
      %get3A_201 = tpu.vector_load %arg6[%get3A_199, %get3A_200] {strides = array<i32>} : memref<64x768xf32, #tpu.memory_space<vmem>>, vector<1x16xf32>,
      %get3A_202 = vector.shape_cast %get3A_201 : vector<1x16xf32> to vector<16xf32>
      %get3A_203 = arith.index_cast %scan3A_18 : i32 to index
      %get3A_204 = arith.constant 208 : index
      %get3A_205 = tpu.vector_load %arg7[%get3A_203, %get3A_204] {strides = array<i32>} : memref<64x768xf32, #tpu.memory_space<vmem>>, vector<1x16xf32>,
      %get3A_206 = vector.shape_cast %get3A_205 : vector<1x16xf32> to vector<16xf32>
      %add3A_207 = arith.addf %get3A_202, %get3A_206 : vector<16xf32>
      %swap3A_208 = arith.index_cast %scan3A_18 : i32 to index
      %swap3A_209 = arith.constant 208 : index
      %swap3A_210 = tpu.vector_load %arg6[%swap3A_208, %swap3A_209] {strides = array<i32>} : memref<64x768xf32, #tpu.memory_space<vmem>>, vector<1x16xf32>,
      %swap3A_211 = vector.shape_cast %swap3A_210 : vector<1x16xf32> to vector<16xf32>
      %swap3A_212 = vector.shape_cast %add3A_207 : vector<16xf32> to vector<1x16xf32>
      tpu.vector_store %arg6[%swap3A_208, %swap3A_209], %swap3A_212 {strides = array<i32>} : memref<64x768xf32, #tpu.memory_space<vmem>>, vector<1x16xf32>,
      %get3A_213 = arith.index_cast %scan3A_18 : i32 to index
      %get3A_214 = arith.constant 224 : index
      %get3A_215 = tpu.vector_load %arg6[%get3A_213, %get3A_214] {strides = array<i32>} : memref<64x768xf32, #tpu.memory_space<vmem>>, vector<1x16xf32>,
      %get3A_216 = vector.shape_cast %get3A_215 : vector<1x16xf32> to vector<16xf32>
      %get3A_217 = arith.index_cast %scan3A_18 : i32 to index
      %get3A_218 = arith.constant 224 : index
      %get3A_219 = tpu.vector_load %arg7[%get3A_217, %get3A_218] {strides = array<i32>} : memref<64x768xf32, #tpu.memory_space<vmem>>, vector<1x16xf32>,
      %get3A_220 = vector.shape_cast %get3A_219 : vector<1x16xf32> to vector<16xf32>
      %add3A_221 = arith.addf %get3A_216, %get3A_220 : vector<16xf32>
      %swap3A_222 = arith.index_cast %scan3A_18 : i32 to index
      %swap3A_223 = arith.constant 224 : index
      %swap3A_224 = tpu.vector_load %arg6[%swap3A_222, %swap3A_223] {strides = array<i32>} : memref<64x768xf32, #tpu.memory_space<vmem>>, vector<1x16xf32>,
      %swap3A_225 = vector.shape_cast %swap3A_224 : vector<1x16xf32> to vector<16xf32>
      %swap3A_226 = vector.shape_cast %add3A_221 : vector<16xf32> to vector<1x16xf32>
      tpu.vector_store %arg6[%swap3A_222, %swap3A_223], %swap3A_226 {strides = array<i32>} : memref<64x768xf32, #tpu.memory_space<vmem>>, vector<1x16xf32>,
      %get3A_227 = arith.index_cast %scan3A_18 : i32 to index
      %get3A_228 = arith.constant 240 : index
      %get3A_229 = tpu.vector_load %arg6[%get3A_227, %get3A_228] {strides = array<i32>} : memref<64x768xf32, #tpu.memory_space<vmem>>, vector<1x16xf32>,
      %get3A_230 = vector.shape_cast %get3A_229 : vector<1x16xf32> to vector<16xf32>
      %get3A_231 = arith.index_cast %scan3A_18 : i32 to index
      %get3A_232 = arith.constant 240 : index
      %get3A_233 = tpu.vector_load %arg7[%get3A_231, %get3A_232] {strides = array<i32>} : memref<64x768xf32, #tpu.memory_space<vmem>>, vector<1x16xf32>,
      %get3A_234 = vector.shape_cast %get3A_233 : vector<1x16xf32> to vector<16xf32>
      %add3A_235 = arith.addf %get3A_230, %get3A_234 : vector<16xf32>
      %swap3A_236 = arith.index_cast %scan3A_18 : i32 to index
      %swap3A_237 = arith.constant 240 : index
      %swap3A_238 = tpu.vector_load %arg6[%swap3A_236, %swap3A_237] {strides = array<i32>} : memref<64x768xf32, #tpu.memory_space<vmem>>, vector<1x16xf32>,
      %swap3A_239 = vector.shape_cast %swap3A_238 : vector<1x16xf32> to vector<16xf32>
      %swap3A_240 = vector.shape_cast %add3A_235 : vector<16xf32> to vector<1x16xf32>
      tpu.vector_store %arg6[%swap3A_236, %swap3A_237], %swap3A_240 {strides = array<i32>} : memref<64x768xf32, #tpu.memory_space<vmem>>, vector<1x16xf32>,
      %get3A_241 = arith.index_cast %scan3A_18 : i32 to index
      %get3A_242 = arith.constant 256 : index
      %get3A_243 = tpu.vector_load %arg6[%get3A_241, %get3A_242] {strides = array<i32>} : memref<64x768xf32, #tpu.memory_space<vmem>>, vector<1x16xf32>,
      %get3A_244 = vector.shape_cast %get3A_243 : vector<1x16xf32> to vector<16xf32>
      %get3A_245 = arith.index_cast %scan3A_18 : i32 to index
      %get3A_246 = arith.constant 256 : index
      %get3A_247 = tpu.vector_load %arg7[%get3A_245, %get3A_246] {strides = array<i32>} : memref<64x768xf32, #tpu.memory_space<vmem>>, vector<1x16xf32>,
      %get3A_248 = vector.shape_cast %get3A_247 : vector<1x16xf32> to vector<16xf32>
      %add3A_249 = arith.addf %get3A_244, %get3A_248 : vector<16xf32>
      %swap3A_250 = arith.index_cast %scan3A_18 : i32 to index
      %swap3A_251 = arith.constant 256 : index
      %swap3A_252 = tpu.vector_load %arg6[%swap3A_250, %swap3A_251] {strides = array<i32>} : memref<64x768xf32, #tpu.memory_space<vmem>>, vector<1x16xf32>,
      %swap3A_253 = vector.shape_cast %swap3A_252 : vector<1x16xf32> to vector<16xf32>
      %swap3A_254 = vector.shape_cast %add3A_249 : vector<16xf32> to vector<1x16xf32>
      tpu.vector_store %arg6[%swap3A_250, %swap3A_251], %swap3A_254 {strides = array<i32>} : memref<64x768xf32, #tpu.memory_space<vmem>>, vector<1x16xf32>,
      %get3A_255 = arith.index_cast %scan3A_18 : i32 to index
      %get3A_256 = arith.constant 272 : index
      %get3A_257 = tpu.vector_load %arg6[%get3A_255, %get3A_256] {strides = array<i32>} : memref<64x768xf32, #tpu.memory_space<vmem>>, vector<1x16xf32>,
      %get3A_258 = vector.shape_cast %get3A_257 : vector<1x16xf32> to vector<16xf32>
      %get3A_259 = arith.index_cast %scan3A_18 : i32 to index
      %get3A_260 = arith.constant 272 : index
      %get3A_261 = tpu.vector_load %arg7[%get3A_259, %get3A_260] {strides = array<i32>} : memref<64x768xf32, #tpu.memory_space<vmem>>, vector<1x16xf32>,
      %get3A_262 = vector.shape_cast %get3A_261 : vector<1x16xf32> to vector<16xf32>
      %add3A_263 = arith.addf %get3A_258, %get3A_262 : vector<16xf32>
      %swap3A_264 = arith.index_cast %scan3A_18 : i32 to index
      %swap3A_265 = arith.constant 272 : index
      %swap3A_266 = tpu.vector_load %arg6[%swap3A_264, %swap3A_265] {strides = array<i32>} : memref<64x768xf32, #tpu.memory_space<vmem>>, vector<1x16xf32>,
      %swap3A_267 = vector.shape_cast %swap3A_266 : vector<1x16xf32> to vector<16xf32>
      %swap3A_268 = vector.shape_cast %add3A_263 : vector<16xf32> to vector<1x16xf32>
      tpu.vector_store %arg6[%swap3A_264, %swap3A_265], %swap3A_268 {strides = array<i32>} : memref<64x768xf32, #tpu.memory_space<vmem>>, vector<1x16xf32>,
      %get3A_269 = arith.index_cast %scan3A_18 : i32 to index
      %get3A_270 = arith.constant 288 : index
      %get3A_271 = tpu.vector_load %arg6[%get3A_269, %get3A_270] {strides = array<i32>} : memref<64x768xf32, #tpu.memory_space<vmem>>, vector<1x16xf32>,
      %get3A_272 = vector.shape_cast %get3A_271 : vector<1x16xf32> to vector<16xf32>
      %get3A_273 = arith.index_cast %scan3A_18 : i32 to index
      %get3A_274 = arith.constant 288 : index
      %get3A_275 = tpu.vector_load %arg7[%get3A_273, %get3A_274] {strides = array<i32>} : memref<64x768xf32, #tpu.memory_space<vmem>>, vector<1x16xf32>,
      %get3A_276 = vector.shape_cast %get3A_275 : vector<1x16xf32> to vector<16xf32>
      %add3A_277 = arith.addf %get3A_272, %get3A_276 : vector<16xf32>
      %swap3A_278 = arith.index_cast %scan3A_18 : i32 to index
      %swap3A_279 = arith.constant 288 : index
      %swap3A_280 = tpu.vector_load %arg6[%swap3A_278, %swap3A_279] {strides = array<i32>} : memref<64x768xf32, #tpu.memory_space<vmem>>, vector<1x16xf32>,
      %swap3A_281 = vector.shape_cast %swap3A_280 : vector<1x16xf32> to vector<16xf32>
      %swap3A_282 = vector.shape_cast %add3A_277 : vector<16xf32> to vector<1x16xf32>
      tpu.vector_store %arg6[%swap3A_278, %swap3A_279], %swap3A_282 {strides = array<i32>} : memref<64x768xf32, #tpu.memory_space<vmem>>, vector<1x16xf32>,
      %get3A_283 = arith.index_cast %scan3A_18 : i32 to index
      %get3A_284 = arith.constant 304 : index
      %get3A_285 = tpu.vector_load %arg6[%get3A_283, %get3A_284] {strides = array<i32>} : memref<64x768xf32, #tpu.memory_space<vmem>>, vector<1x16xf32>,
      %get3A_286 = vector.shape_cast %get3A_285 : vector<1x16xf32> to vector<16xf32>
      %get3A_287 = arith.index_cast %scan3A_18 : i32 to index
      %get3A_288 = arith.constant 304 : index
      %get3A_289 = tpu.vector_load %arg7[%get3A_287, %get3A_288] {strides = array<i32>} : memref<64x768xf32, #tpu.memory_space<vmem>>, vector<1x16xf32>,
      %get3A_290 = vector.shape_cast %get3A_289 : vector<1x16xf32> to vector<16xf32>
      %add3A_291 = arith.addf %get3A_286, %get3A_290 : vector<16xf32>
      %swap3A_292 = arith.index_cast %scan3A_18 : i32 to index
      %swap3A_293 = arith.constant 304 : index
      %swap3A_294 = tpu.vector_load %arg6[%swap3A_292, %swap3A_293] {strides = array<i32>} : memref<64x768xf32, #tpu.memory_space<vmem>>, vector<1x16xf32>,
      %swap3A_295 = vector.shape_cast %swap3A_294 : vector<1x16xf32> to vector<16xf32>
      %swap3A_296 = vector.shape_cast %add3A_291 : vector<16xf32> to vector<1x16xf32>
      tpu.vector_store %arg6[%swap3A_292, %swap3A_293], %swap3A_296 {strides = array<i32>} : memref<64x768xf32, #tpu.memory_space<vmem>>, vector<1x16xf32>,
      %get3A_297 = arith.index_cast %scan3A_18 : i32 to index
      %get3A_298 = arith.constant 320 : index
      %get3A_299 = tpu.vector_load %arg6[%get3A_297, %get3A_298] {strides = array<i32>} : memref<64x768xf32, #tpu.memory_space<vmem>>, vector<1x16xf32>,
      %get3A_300 = vector.shape_cast %get3A_299 : vector<1x16xf32> to vector<16xf32>
      %get3A_301 = arith.index_cast %scan3A_18 : i32 to index
      %get3A_302 = arith.constant 320 : index
      %get3A_303 = tpu.vector_load %arg7[%get3A_301, %get3A_302] {strides = array<i32>} : memref<64x768xf32, #tpu.memory_space<vmem>>, vector<1x16xf32>,
      %get3A_304 = vector.shape_cast %get3A_303 : vector<1x16xf32> to vector<16xf32>
      %add3A_305 = arith.addf %get3A_300, %get3A_304 : vector<16xf32>
      %swap3A_306 = arith.index_cast %scan3A_18 : i32 to index
      %swap3A_307 = arith.constant 320 : index
      %swap3A_308 = tpu.vector_load %arg6[%swap3A_306, %swap3A_307] {strides = array<i32>} : memref<64x768xf32, #tpu.memory_space<vmem>>, vector<1x16xf32>,
      %swap3A_309 = vector.shape_cast %swap3A_308 : vector<1x16xf32> to vector<16xf32>
      %swap3A_310 = vector.shape_cast %add3A_305 : vector<16xf32> to vector<1x16xf32>
      tpu.vector_store %arg6[%swap3A_306, %swap3A_307], %swap3A_310 {strides = array<i32>} : memref<64x768xf32, #tpu.memory_space<vmem>>, vector<1x16xf32>,
      %get3A_311 = arith.index_cast %scan3A_18 : i32 to index
      %get3A_312 = arith.constant 336 : index
      %get3A_313 = tpu.vector_load %arg6[%get3A_311, %get3A_312] {strides = array<i32>} : memref<64x768xf32, #tpu.memory_space<vmem>>, vector<1x16xf32>,
      %get3A_314 = vector.shape_cast %get3A_313 : vector<1x16xf32> to vector<16xf32>
      %get3A_315 = arith.index_cast %scan3A_18 : i32 to index
      %get3A_316 = arith.constant 336 : index
      %get3A_317 = tpu.vector_load %arg7[%get3A_315, %get3A_316] {strides = array<i32>} : memref<64x768xf32, #tpu.memory_space<vmem>>, vector<1x16xf32>,
      %get3A_318 = vector.shape_cast %get3A_317 : vector<1x16xf32> to vector<16xf32>
      %add3A_319 = arith.addf %get3A_314, %get3A_318 : vector<16xf32>
      %swap3A_320 = arith.index_cast %scan3A_18 : i32 to index
      %swap3A_321 = arith.constant 336 : index
      %swap3A_322 = tpu.vector_load %arg6[%swap3A_320, %swap3A_321] {strides = array<i32>} : memref<64x768xf32, #tpu.memory_space<vmem>>, vector<1x16xf32>,
      %swap3A_323 = vector.shape_cast %swap3A_322 : vector<1x16xf32> to vector<16xf32>
      %swap3A_324 = vector.shape_cast %add3A_319 : vector<16xf32> to vector<1x16xf32>
      tpu.vector_store %arg6[%swap3A_320, %swap3A_321], %swap3A_324 {strides = array<i32>} : memref<64x768xf32, #tpu.memory_space<vmem>>, vector<1x16xf32>,
      %get3A_325 = arith.index_cast %scan3A_18 : i32 to index
      %get3A_326 = arith.constant 352 : index
      %get3A_327 = tpu.vector_load %arg6[%get3A_325, %get3A_326] {strides = array<i32>} : memref<64x768xf32, #tpu.memory_space<vmem>>, vector<1x16xf32>,
      %get3A_328 = vector.shape_cast %get3A_327 : vector<1x16xf32> to vector<16xf32>
      %get3A_329 = arith.index_cast %scan3A_18 : i32 to index
      %get3A_330 = arith.constant 352 : index
      %get3A_331 = tpu.vector_load %arg7[%get3A_329, %get3A_330] {strides = array<i32>} : memref<64x768xf32, #tpu.memory_space<vmem>>, vector<1x16xf32>,
      %get3A_332 = vector.shape_cast %get3A_331 : vector<1x16xf32> to vector<16xf32>
      %add3A_333 = arith.addf %get3A_328, %get3A_332 : vector<16xf32>
      %swap3A_334 = arith.index_cast %scan3A_18 : i32 to index
      %swap3A_335 = arith.constant 352 : index
      %swap3A_336 = tpu.vector_load %arg6[%swap3A_334, %swap3A_335] {strides = array<i32>} : memref<64x768xf32, #tpu.memory_space<vmem>>, vector<1x16xf32>,
      %swap3A_337 = vector.shape_cast %swap3A_336 : vector<1x16xf32> to vector<16xf32>
      %swap3A_338 = vector.shape_cast %add3A_333 : vector<16xf32> to vector<1x16xf32>
      tpu.vector_store %arg6[%swap3A_334, %swap3A_335], %swap3A_338 {strides = array<i32>} : memref<64x768xf32, #tpu.memory_space<vmem>>, vector<1x16xf32>,
      %get3A_339 = arith.index_cast %scan3A_18 : i32 to index
      %get3A_340 = arith.constant 368 : index
      %get3A_341 = tpu.vector_load %arg6[%get3A_339, %get3A_340] {strides = array<i32>} : memref<64x768xf32, #tpu.memory_space<vmem>>, vector<1x16xf32>,
      %get3A_342 = vector.shape_cast %get3A_341 : vector<1x16xf32> to vector<16xf32>
      %get3A_343 = arith.index_cast %scan3A_18 : i32 to index
      %get3A_344 = arith.constant 368 : index
      %get3A_345 = tpu.vector_load %arg7[%get3A_343, %get3A_344] {strides = array<i32>} : memref<64x768xf32, #tpu.memory_space<vmem>>, vector<1x16xf32>,
      %get3A_346 = vector.shape_cast %get3A_345 : vector<1x16xf32> to vector<16xf32>
      %add3A_347 = arith.addf %get3A_342, %get3A_346 : vector<16xf32>
      %swap3A_348 = arith.index_cast %scan3A_18 : i32 to index
      %swap3A_349 = arith.constant 368 : index
      %swap3A_350 = tpu.vector_load %arg6[%swap3A_348, %swap3A_349] {strides = array<i32>} : memref<64x768xf32, #tpu.memory_space<vmem>>, vector<1x16xf32>,
      %swap3A_351 = vector.shape_cast %swap3A_350 : vector<1x16xf32> to vector<16xf32>
      %swap3A_352 = vector.shape_cast %add3A_347 : vector<16xf32> to vector<1x16xf32>
      tpu.vector_store %arg6[%swap3A_348, %swap3A_349], %swap3A_352 {strides = array<i32>} : memref<64x768xf32, #tpu.memory_space<vmem>>, vector<1x16xf32>,
      %get3A_353 = arith.index_cast %scan3A_18 : i32 to index
      %get3A_354 = arith.constant 384 : index
      %get3A_355 = tpu.vector_load %arg6[%get3A_353, %get3A_354] {strides = array<i32>} : memref<64x768xf32, #tpu.memory_space<vmem>>, vector<1x16xf32>,
      %get3A_356 = vector.shape_cast %get3A_355 : vector<1x16xf32> to vector<16xf32>
      %get3A_357 = arith.index_cast %scan3A_18 : i32 to index
      %get3A_358 = arith.constant 384 : index
      %get3A_359 = tpu.vector_load %arg7[%get3A_357, %get3A_358] {strides = array<i32>} : memref<64x768xf32, #tpu.memory_space<vmem>>, vector<1x16xf32>,
      %get3A_360 = vector.shape_cast %get3A_359 : vector<1x16xf32> to vector<16xf32>
      %add3A_361 = arith.addf %get3A_356, %get3A_360 : vector<16xf32>
      %swap3A_362 = arith.index_cast %scan3A_18 : i32 to index
      %swap3A_363 = arith.constant 384 : index
      %swap3A_364 = tpu.vector_load %arg6[%swap3A_362, %swap3A_363] {strides = array<i32>} : memref<64x768xf32, #tpu.memory_space<vmem>>, vector<1x16xf32>,
      %swap3A_365 = vector.shape_cast %swap3A_364 : vector<1x16xf32> to vector<16xf32>
      %swap3A_366 = vector.shape_cast %add3A_361 : vector<16xf32> to vector<1x16xf32>
      tpu.vector_store %arg6[%swap3A_362, %swap3A_363], %swap3A_366 {strides = array<i32>} : memref<64x768xf32, #tpu.memory_space<vmem>>, vector<1x16xf32>,
      %get3A_367 = arith.index_cast %scan3A_18 : i32 to index
      %get3A_368 = arith.constant 400 : index
      %get3A_369 = tpu.vector_load %arg6[%get3A_367, %get3A_368] {strides = array<i32>} : memref<64x768xf32, #tpu.memory_space<vmem>>, vector<1x16xf32>,
      %get3A_370 = vector.shape_cast %get3A_369 : vector<1x16xf32> to vector<16xf32>
      %get3A_371 = arith.index_cast %scan3A_18 : i32 to index
      %get3A_372 = arith.constant 400 : index
      %get3A_373 = tpu.vector_load %arg7[%get3A_371, %get3A_372] {strides = array<i32>} : memref<64x768xf32, #tpu.memory_space<vmem>>, vector<1x16xf32>,
      %get3A_374 = vector.shape_cast %get3A_373 : vector<1x16xf32> to vector<16xf32>
      %add3A_375 = arith.addf %get3A_370, %get3A_374 : vector<16xf32>
      %swap3A_376 = arith.index_cast %scan3A_18 : i32 to index
      %swap3A_377 = arith.constant 400 : index
      %swap3A_378 = tpu.vector_load %arg6[%swap3A_376, %swap3A_377] {strides = array<i32>} : memref<64x768xf32, #tpu.memory_space<vmem>>, vector<1x16xf32>,
      %swap3A_379 = vector.shape_cast %swap3A_378 : vector<1x16xf32> to vector<16xf32>
      %swap3A_380 = vector.shape_cast %add3A_375 : vector<16xf32> to vector<1x16xf32>
      tpu.vector_store %arg6[%swap3A_376, %swap3A_377], %swap3A_380 {strides = array<i32>} : memref<64x768xf32, #tpu.memory_space<vmem>>, vector<1x16xf32>,
      %get3A_381 = arith.index_cast %scan3A_18 : i32 to index
      %get3A_382 = arith.constant 416 : index
      %get3A_383 = tpu.vector_load %arg6[%get3A_381, %get3A_382] {strides = array<i32>} : memref<64x768xf32, #tpu.memory_space<vmem>>, vector<1x16xf32>,
      %get3A_384 = vector.shape_cast %get3A_383 : vector<1x16xf32> to vector<16xf32>
      %get3A_385 = arith.index_cast %scan3A_18 : i32 to index
      %get3A_386 = arith.constant 416 : index
      %get3A_387 = tpu.vector_load %arg7[%get3A_385, %get3A_386] {strides = array<i32>} : memref<64x768xf32, #tpu.memory_space<vmem>>, vector<1x16xf32>,
      %get3A_388 = vector.shape_cast %get3A_387 : vector<1x16xf32> to vector<16xf32>
      %add3A_389 = arith.addf %get3A_384, %get3A_388 : vector<16xf32>
      %swap3A_390 = arith.index_cast %scan3A_18 : i32 to index
      %swap3A_391 = arith.constant 416 : index
      %swap3A_392 = tpu.vector_load %arg6[%swap3A_390, %swap3A_391] {strides = array<i32>} : memref<64x768xf32, #tpu.memory_space<vmem>>, vector<1x16xf32>,
      %swap3A_393 = vector.shape_cast %swap3A_392 : vector<1x16xf32> to vector<16xf32>
      %swap3A_394 = vector.shape_cast %add3A_389 : vector<16xf32> to vector<1x16xf32>
      tpu.vector_store %arg6[%swap3A_390, %swap3A_391], %swap3A_394 {strides = array<i32>} : memref<64x768xf32, #tpu.memory_space<vmem>>, vector<1x16xf32>,
      %get3A_395 = arith.index_cast %scan3A_18 : i32 to index
      %get3A_396 = arith.constant 432 : index
      %get3A_397 = tpu.vector_load %arg6[%get3A_395, %get3A_396] {strides = array<i32>} : memref<64x768xf32, #tpu.memory_space<vmem>>, vector<1x16xf32>,
      %get3A_398 = vector.shape_cast %get3A_397 : vector<1x16xf32> to vector<16xf32>
      %get3A_399 = arith.index_cast %scan3A_18 : i32 to index
      %get3A_400 = arith.constant 432 : index
      %get3A_401 = tpu.vector_load %arg7[%get3A_399, %get3A_400] {strides = array<i32>} : memref<64x768xf32, #tpu.memory_space<vmem>>, vector<1x16xf32>,
      %get3A_402 = vector.shape_cast %get3A_401 : vector<1x16xf32> to vector<16xf32>
      %add3A_403 = arith.addf %get3A_398, %get3A_402 : vector<16xf32>
      %swap3A_404 = arith.index_cast %scan3A_18 : i32 to index
      %swap3A_405 = arith.constant 432 : index
      %swap3A_406 = tpu.vector_load %arg6[%swap3A_404, %swap3A_405] {strides = array<i32>} : memref<64x768xf32, #tpu.memory_space<vmem>>, vector<1x16xf32>,
      %swap3A_407 = vector.shape_cast %swap3A_406 : vector<1x16xf32> to vector<16xf32>
      %swap3A_408 = vector.shape_cast %add3A_403 : vector<16xf32> to vector<1x16xf32>
      tpu.vector_store %arg6[%swap3A_404, %swap3A_405], %swap3A_408 {strides = array<i32>} : memref<64x768xf32, #tpu.memory_space<vmem>>, vector<1x16xf32>,
      %get3A_409 = arith.index_cast %scan3A_18 : i32 to index
      %get3A_410 = arith.constant 448 : index
      %get3A_411 = tpu.vector_load %arg6[%get3A_409, %get3A_410] {strides = array<i32>} : memref<64x768xf32, #tpu.memory_space<vmem>>, vector<1x16xf32>,
      %get3A_412 = vector.shape_cast %get3A_411 : vector<1x16xf32> to vector<16xf32>
      %get3A_413 = arith.index_cast %scan3A_18 : i32 to index
      %get3A_414 = arith.constant 448 : index
      %get3A_415 = tpu.vector_load %arg7[%get3A_413, %get3A_414] {strides = array<i32>} : memref<64x768xf32, #tpu.memory_space<vmem>>, vector<1x16xf32>,
      %get3A_416 = vector.shape_cast %get3A_415 : vector<1x16xf32> to vector<16xf32>
      %add3A_417 = arith.addf %get3A_412, %get3A_416 : vector<16xf32>
      %swap3A_418 = arith.index_cast %scan3A_18 : i32 to index
      %swap3A_419 = arith.constant 448 : index
      %swap3A_420 = tpu.vector_load %arg6[%swap3A_418, %swap3A_419] {strides = array<i32>} : memref<64x768xf32, #tpu.memory_space<vmem>>, vector<1x16xf32>,
      %swap3A_421 = vector.shape_cast %swap3A_420 : vector<1x16xf32> to vector<16xf32>
      %swap3A_422 = vector.shape_cast %add3A_417 : vector<16xf32> to vector<1x16xf32>
      tpu.vector_store %arg6[%swap3A_418, %swap3A_419], %swap3A_422 {strides = array<i32>} : memref<64x768xf32, #tpu.memory_space<vmem>>, vector<1x16xf32>,
      %get3A_423 = arith.index_cast %scan3A_18 : i32 to index
      %get3A_424 = arith.constant 464 : index
      %get3A_425 = tpu.vector_load %arg6[%get3A_423, %get3A_424] {strides = array<i32>} : memref<64x768xf32, #tpu.memory_space<vmem>>, vector<1x16xf32>,
      %get3A_426 = vector.shape_cast %get3A_425 : vector<1x16xf32> to vector<16xf32>
      %get3A_427 = arith.index_cast %scan3A_18 : i32 to index
      %get3A_428 = arith.constant 464 : index
      %get3A_429 = tpu.vector_load %arg7[%get3A_427, %get3A_428] {strides = array<i32>} : memref<64x768xf32, #tpu.memory_space<vmem>>, vector<1x16xf32>,
      %get3A_430 = vector.shape_cast %get3A_429 : vector<1x16xf32> to vector<16xf32>
      %add3A_431 = arith.addf %get3A_426, %get3A_430 : vector<16xf32>
      %swap3A_432 = arith.index_cast %scan3A_18 : i32 to index
      %swap3A_433 = arith.constant 464 : index
      %swap3A_434 = tpu.vector_load %arg6[%swap3A_432, %swap3A_433] {strides = array<i32>} : memref<64x768xf32, #tpu.memory_space<vmem>>, vector<1x16xf32>,
      %swap3A_435 = vector.shape_cast %swap3A_434 : vector<1x16xf32> to vector<16xf32>
      %swap3A_436 = vector.shape_cast %add3A_431 : vector<16xf32> to vector<1x16xf32>
      tpu.vector_store %arg6[%swap3A_432, %swap3A_433], %swap3A_436 {strides = array<i32>} : memref<64x768xf32, #tpu.memory_space<vmem>>, vector<1x16xf32>,
      %get3A_437 = arith.index_cast %scan3A_18 : i32 to index
      %get3A_438 = arith.constant 480 : index
      %get3A_439 = tpu.vector_load %arg6[%get3A_437, %get3A_438] {strides = array<i32>} : memref<64x768xf32, #tpu.memory_space<vmem>>, vector<1x16xf32>,
      %get3A_440 = vector.shape_cast %get3A_439 : vector<1x16xf32> to vector<16xf32>
      %get3A_441 = arith.index_cast %scan3A_18 : i32 to index
      %get3A_442 = arith.constant 480 : index
      %get3A_443 = tpu.vector_load %arg7[%get3A_441, %get3A_442] {strides = array<i32>} : memref<64x768xf32, #tpu.memory_space<vmem>>, vector<1x16xf32>,
      %get3A_444 = vector.shape_cast %get3A_443 : vector<1x16xf32> to vector<16xf32>
      %add3A_445 = arith.addf %get3A_440, %get3A_444 : vector<16xf32>
      %swap3A_446 = arith.index_cast %scan3A_18 : i32 to index
      %swap3A_447 = arith.constant 480 : index
      %swap3A_448 = tpu.vector_load %arg6[%swap3A_446, %swap3A_447] {strides = array<i32>} : memref<64x768xf32, #tpu.memory_space<vmem>>, vector<1x16xf32>,
      %swap3A_449 = vector.shape_cast %swap3A_448 : vector<1x16xf32> to vector<16xf32>
      %swap3A_450 = vector.shape_cast %add3A_445 : vector<16xf32> to vector<1x16xf32>
      tpu.vector_store %arg6[%swap3A_446, %swap3A_447], %swap3A_450 {strides = array<i32>} : memref<64x768xf32, #tpu.memory_space<vmem>>, vector<1x16xf32>,
      %get3A_451 = arith.index_cast %scan3A_18 : i32 to index
      %get3A_452 = arith.constant 496 : index
      %get3A_453 = tpu.vector_load %arg6[%get3A_451, %get3A_452] {strides = array<i32>} : memref<64x768xf32, #tpu.memory_space<vmem>>, vector<1x16xf32>,
      %get3A_454 = vector.shape_cast %get3A_453 : vector<1x16xf32> to vector<16xf32>
      %get3A_455 = arith.index_cast %scan3A_18 : i32 to index
      %get3A_456 = arith.constant 496 : index
      %get3A_457 = tpu.vector_load %arg7[%get3A_455, %get3A_456] {strides = array<i32>} : memref<64x768xf32, #tpu.memory_space<vmem>>, vector<1x16xf32>,
      %get3A_458 = vector.shape_cast %get3A_457 : vector<1x16xf32> to vector<16xf32>
      %add3A_459 = arith.addf %get3A_454, %get3A_458 : vector<16xf32>
      %swap3A_460 = arith.index_cast %scan3A_18 : i32 to index
      %swap3A_461 = arith.constant 496 : index
      %swap3A_462 = tpu.vector_load %arg6[%swap3A_460, %swap3A_461] {strides = array<i32>} : memref<64x768xf32, #tpu.memory_space<vmem>>, vector<1x16xf32>,
      %swap3A_463 = vector.shape_cast %swap3A_462 : vector<1x16xf32> to vector<16xf32>
      %swap3A_464 = vector.shape_cast %add3A_459 : vector<16xf32> to vector<1x16xf32>
      tpu.vector_store %arg6[%swap3A_460, %swap3A_461], %swap3A_464 {strides = array<i32>} : memref<64x768xf32, #tpu.memory_space<vmem>>, vector<1x16xf32>,
      %get3A_465 = arith.index_cast %scan3A_18 : i32 to index
      %get3A_466 = arith.constant 512 : index
      %get3A_467 = tpu.vector_load %arg6[%get3A_465, %get3A_466] {strides = array<i32>} : memref<64x768xf32, #tpu.memory_space<vmem>>, vector<1x16xf32>,
      %get3A_468 = vector.shape_cast %get3A_467 : vector<1x16xf32> to vector<16xf32>
      %get3A_469 = arith.index_cast %scan3A_18 : i32 to index
      %get3A_470 = arith.constant 512 : index
      %get3A_471 = tpu.vector_load %arg7[%get3A_469, %get3A_470] {strides = array<i32>} : memref<64x768xf32, #tpu.memory_space<vmem>>, vector<1x16xf32>,
      %get3A_472 = vector.shape_cast %get3A_471 : vector<1x16xf32> to vector<16xf32>
      %add3A_473 = arith.addf %get3A_468, %get3A_472 : vector<16xf32>
      %swap3A_474 = arith.index_cast %scan3A_18 : i32 to index
      %swap3A_475 = arith.constant 512 : index
      %swap3A_476 = tpu.vector_load %arg6[%swap3A_474, %swap3A_475] {strides = array<i32>} : memref<64x768xf32, #tpu.memory_space<vmem>>, vector<1x16xf32>,
      %swap3A_477 = vector.shape_cast %swap3A_476 : vector<1x16xf32> to vector<16xf32>
      %swap3A_478 = vector.shape_cast %add3A_473 : vector<16xf32> to vector<1x16xf32>
      tpu.vector_store %arg6[%swap3A_474, %swap3A_475], %swap3A_478 {strides = array<i32>} : memref<64x768xf32, #tpu.memory_space<vmem>>, vector<1x16xf32>,
      %get3A_479 = arith.index_cast %scan3A_18 : i32 to index
      %get3A_480 = arith.constant 528 : index
      %get3A_481 = tpu.vector_load %arg6[%get3A_479, %get3A_480] {strides = array<i32>} : memref<64x768xf32, #tpu.memory_space<vmem>>, vector<1x16xf32>,
      %get3A_482 = vector.shape_cast %get3A_481 : vector<1x16xf32> to vector<16xf32>
      %get3A_483 = arith.index_cast %scan3A_18 : i32 to index
      %get3A_484 = arith.constant 528 : index
      %get3A_485 = tpu.vector_load %arg7[%get3A_483, %get3A_484] {strides = array<i32>} : memref<64x768xf32, #tpu.memory_space<vmem>>, vector<1x16xf32>,
      %get3A_486 = vector.shape_cast %get3A_485 : vector<1x16xf32> to vector<16xf32>
      %add3A_487 = arith.addf %get3A_482, %get3A_486 : vector<16xf32>
      %swap3A_488 = arith.index_cast %scan3A_18 : i32 to index
      %swap3A_489 = arith.constant 528 : index
      %swap3A_490 = tpu.vector_load %arg6[%swap3A_488, %swap3A_489] {strides = array<i32>} : memref<64x768xf32, #tpu.memory_space<vmem>>, vector<1x16xf32>,
      %swap3A_491 = vector.shape_cast %swap3A_490 : vector<1x16xf32> to vector<16xf32>
      %swap3A_492 = vector.shape_cast %add3A_487 : vector<16xf32> to vector<1x16xf32>
      tpu.vector_store %arg6[%swap3A_488, %swap3A_489], %swap3A_492 {strides = array<i32>} : memref<64x768xf32, #tpu.memory_space<vmem>>, vector<1x16xf32>,
      %get3A_493 = arith.index_cast %scan3A_18 : i32 to index
      %get3A_494 = arith.constant 544 : index
      %get3A_495 = tpu.vector_load %arg6[%get3A_493, %get3A_494] {strides = array<i32>} : memref<64x768xf32, #tpu.memory_space<vmem>>, vector<1x16xf32>,
      %get3A_496 = vector.shape_cast %get3A_495 : vector<1x16xf32> to vector<16xf32>
      %get3A_497 = arith.index_cast %scan3A_18 : i32 to index
      %get3A_498 = arith.constant 544 : index
      %get3A_499 = tpu.vector_load %arg7[%get3A_497, %get3A_498] {strides = array<i32>} : memref<64x768xf32, #tpu.memory_space<vmem>>, vector<1x16xf32>,
      %get3A_500 = vector.shape_cast %get3A_499 : vector<1x16xf32> to vector<16xf32>
      %add3A_501 = arith.addf %get3A_496, %get3A_500 : vector<16xf32>
      %swap3A_502 = arith.index_cast %scan3A_18 : i32 to index
      %swap3A_503 = arith.constant 544 : index
      %swap3A_504 = tpu.vector_load %arg6[%swap3A_502, %swap3A_503] {strides = array<i32>} : memref<64x768xf32, #tpu.memory_space<vmem>>, vector<1x16xf32>,
      %swap3A_505 = vector.shape_cast %swap3A_504 : vector<1x16xf32> to vector<16xf32>
      %swap3A_506 = vector.shape_cast %add3A_501 : vector<16xf32> to vector<1x16xf32>
      tpu.vector_store %arg6[%swap3A_502, %swap3A_503], %swap3A_506 {strides = array<i32>} : memref<64x768xf32, #tpu.memory_space<vmem>>, vector<1x16xf32>,
      %get3A_507 = arith.index_cast %scan3A_18 : i32 to index
      %get3A_508 = arith.constant 560 : index
      %get3A_509 = tpu.vector_load %arg6[%get3A_507, %get3A_508] {strides = array<i32>} : memref<64x768xf32, #tpu.memory_space<vmem>>, vector<1x16xf32>,
      %get3A_510 = vector.shape_cast %get3A_509 : vector<1x16xf32> to vector<16xf32>
      %get3A_511 = arith.index_cast %scan3A_18 : i32 to index
      %get3A_512 = arith.constant 560 : index
      %get3A_513 = tpu.vector_load %arg7[%get3A_511, %get3A_512] {strides = array<i32>} : memref<64x768xf32, #tpu.memory_space<vmem>>, vector<1x16xf32>,
      %get3A_514 = vector.shape_cast %get3A_513 : vector<1x16xf32> to vector<16xf32>
      %add3A_515 = arith.addf %get3A_510, %get3A_514 : vector<16xf32>
      %swap3A_516 = arith.index_cast %scan3A_18 : i32 to index
      %swap3A_517 = arith.constant 560 : index
      %swap3A_518 = tpu.vector_load %arg6[%swap3A_516, %swap3A_517] {strides = array<i32>} : memref<64x768xf32, #tpu.memory_space<vmem>>, vector<1x16xf32>,
      %swap3A_519 = vector.shape_cast %swap3A_518 : vector<1x16xf32> to vector<16xf32>
      %swap3A_520 = vector.shape_cast %add3A_515 : vector<16xf32> to vector<1x16xf32>
      tpu.vector_store %arg6[%swap3A_516, %swap3A_517], %swap3A_520 {strides = array<i32>} : memref<64x768xf32, #tpu.memory_space<vmem>>, vector<1x16xf32>,
      %get3A_521 = arith.index_cast %scan3A_18 : i32 to index
      %get3A_522 = arith.constant 576 : index
      %get3A_523 = tpu.vector_load %arg6[%get3A_521, %get3A_522] {strides = array<i32>} : memref<64x768xf32, #tpu.memory_space<vmem>>, vector<1x16xf32>,
      %get3A_524 = vector.shape_cast %get3A_523 : vector<1x16xf32> to vector<16xf32>
      %get3A_525 = arith.index_cast %scan3A_18 : i32 to index
      %get3A_526 = arith.constant 576 : index
      %get3A_527 = tpu.vector_load %arg7[%get3A_525, %get3A_526] {strides = array<i32>} : memref<64x768xf32, #tpu.memory_space<vmem>>, vector<1x16xf32>,
      %get3A_528 = vector.shape_cast %get3A_527 : vector<1x16xf32> to vector<16xf32>
      %add3A_529 = arith.addf %get3A_524, %get3A_528 : vector<16xf32>
      %swap3A_530 = arith.index_cast %scan3A_18 : i32 to index
      %swap3A_531 = arith.constant 576 : index
      %swap3A_532 = tpu.vector_load %arg6[%swap3A_530, %swap3A_531] {strides = array<i32>} : memref<64x768xf32, #tpu.memory_space<vmem>>, vector<1x16xf32>,
      %swap3A_533 = vector.shape_cast %swap3A_532 : vector<1x16xf32> to vector<16xf32>
      %swap3A_534 = vector.shape_cast %add3A_529 : vector<16xf32> to vector<1x16xf32>
      tpu.vector_store %arg6[%swap3A_530, %swap3A_531], %swap3A_534 {strides = array<i32>} : memref<64x768xf32, #tpu.memory_space<vmem>>, vector<1x16xf32>,
      %get3A_535 = arith.index_cast %scan3A_18 : i32 to index
      %get3A_536 = arith.constant 592 : index
      %get3A_537 = tpu.vector_load %arg6[%get3A_535, %get3A_536] {strides = array<i32>} : memref<64x768xf32, #tpu.memory_space<vmem>>, vector<1x16xf32>,
      %get3A_538 = vector.shape_cast %get3A_537 : vector<1x16xf32> to vector<16xf32>
      %get3A_539 = arith.index_cast %scan3A_18 : i32 to index
      %get3A_540 = arith.constant 592 : index
      %get3A_541 = tpu.vector_load %arg7[%get3A_539, %get3A_540] {strides = array<i32>} : memref<64x768xf32, #tpu.memory_space<vmem>>, vector<1x16xf32>,
      %get3A_542 = vector.shape_cast %get3A_541 : vector<1x16xf32> to vector<16xf32>
      %add3A_543 = arith.addf %get3A_538, %get3A_542 : vector<16xf32>
      %swap3A_544 = arith.index_cast %scan3A_18 : i32 to index
      %swap3A_545 = arith.constant 592 : index
      %swap3A_546 = tpu.vector_load %arg6[%swap3A_544, %swap3A_545] {strides = array<i32>} : memref<64x768xf32, #tpu.memory_space<vmem>>, vector<1x16xf32>,
      %swap3A_547 = vector.shape_cast %swap3A_546 : vector<1x16xf32> to vector<16xf32>
      %swap3A_548 = vector.shape_cast %add3A_543 : vector<16xf32> to vector<1x16xf32>
      tpu.vector_store %arg6[%swap3A_544, %swap3A_545], %swap3A_548 {strides = array<i32>} : memref<64x768xf32, #tpu.memory_space<vmem>>, vector<1x16xf32>,
      %get3A_549 = arith.index_cast %scan3A_18 : i32 to index
      %get3A_550 = arith.constant 608 : index
      %get3A_551 = tpu.vector_load %arg6[%get3A_549, %get3A_550] {strides = array<i32>} : memref<64x768xf32, #tpu.memory_space<vmem>>, vector<1x16xf32>,
      %get3A_552 = vector.shape_cast %get3A_551 : vector<1x16xf32> to vector<16xf32>
      %get3A_553 = arith.index_cast %scan3A_18 : i32 to index
      %get3A_554 = arith.constant 608 : index
      %get3A_555 = tpu.vector_load %arg7[%get3A_553, %get3A_554] {strides = array<i32>} : memref<64x768xf32, #tpu.memory_space<vmem>>, vector<1x16xf32>,
      %get3A_556 = vector.shape_cast %get3A_555 : vector<1x16xf32> to vector<16xf32>
      %add3A_557 = arith.addf %get3A_552, %get3A_556 : vector<16xf32>
      %swap3A_558 = arith.index_cast %scan3A_18 : i32 to index
      %swap3A_559 = arith.constant 608 : index
      %swap3A_560 = tpu.vector_load %arg6[%swap3A_558, %swap3A_559] {strides = array<i32>} : memref<64x768xf32, #tpu.memory_space<vmem>>, vector<1x16xf32>,
      %swap3A_561 = vector.shape_cast %swap3A_560 : vector<1x16xf32> to vector<16xf32>
      %swap3A_562 = vector.shape_cast %add3A_557 : vector<16xf32> to vector<1x16xf32>
      tpu.vector_store %arg6[%swap3A_558, %swap3A_559], %swap3A_562 {strides = array<i32>} : memref<64x768xf32, #tpu.memory_space<vmem>>, vector<1x16xf32>,
      %get3A_563 = arith.index_cast %scan3A_18 : i32 to index
      %get3A_564 = arith.constant 624 : index
      %get3A_565 = tpu.vector_load %arg6[%get3A_563, %get3A_564] {strides = array<i32>} : memref<64x768xf32, #tpu.memory_space<vmem>>, vector<1x16xf32>,
      %get3A_566 = vector.shape_cast %get3A_565 : vector<1x16xf32> to vector<16xf32>
      %get3A_567 = arith.index_cast %scan3A_18 : i32 to index
      %get3A_568 = arith.constant 624 : index
      %get3A_569 = tpu.vector_load %arg7[%get3A_567, %get3A_568] {strides = array<i32>} : memref<64x768xf32, #tpu.memory_space<vmem>>, vector<1x16xf32>,
      %get3A_570 = vector.shape_cast %get3A_569 : vector<1x16xf32> to vector<16xf32>
      %add3A_571 = arith.addf %get3A_566, %get3A_570 : vector<16xf32>
      %swap3A_572 = arith.index_cast %scan3A_18 : i32 to index
      %swap3A_573 = arith.constant 624 : index
      %swap3A_574 = tpu.vector_load %arg6[%swap3A_572, %swap3A_573] {strides = array<i32>} : memref<64x768xf32, #tpu.memory_space<vmem>>, vector<1x16xf32>,
      %swap3A_575 = vector.shape_cast %swap3A_574 : vector<1x16xf32> to vector<16xf32>
      %swap3A_576 = vector.shape_cast %add3A_571 : vector<16xf32> to vector<1x16xf32>
      tpu.vector_store %arg6[%swap3A_572, %swap3A_573], %swap3A_576 {strides = array<i32>} : memref<64x768xf32, #tpu.memory_space<vmem>>, vector<1x16xf32>,
      %get3A_577 = arith.index_cast %scan3A_18 : i32 to index
      %get3A_578 = arith.constant 640 : index
      %get3A_579 = tpu.vector_load %arg6[%get3A_577, %get3A_578] {strides = array<i32>} : memref<64x768xf32, #tpu.memory_space<vmem>>, vector<1x16xf32>,
      %get3A_580 = vector.shape_cast %get3A_579 : vector<1x16xf32> to vector<16xf32>
      %get3A_581 = arith.index_cast %scan3A_18 : i32 to index
      %get3A_582 = arith.constant 640 : index
      %get3A_583 = tpu.vector_load %arg7[%get3A_581, %get3A_582] {strides = array<i32>} : memref<64x768xf32, #tpu.memory_space<vmem>>, vector<1x16xf32>,
      %get3A_584 = vector.shape_cast %get3A_583 : vector<1x16xf32> to vector<16xf32>
      %add3A_585 = arith.addf %get3A_580, %get3A_584 : vector<16xf32>
      %swap3A_586 = arith.index_cast %scan3A_18 : i32 to index
      %swap3A_587 = arith.constant 640 : index
      %swap3A_588 = tpu.vector_load %arg6[%swap3A_586, %swap3A_587] {strides = array<i32>} : memref<64x768xf32, #tpu.memory_space<vmem>>, vector<1x16xf32>,
      %swap3A_589 = vector.shape_cast %swap3A_588 : vector<1x16xf32> to vector<16xf32>
      %swap3A_590 = vector.shape_cast %add3A_585 : vector<16xf32> to vector<1x16xf32>
      tpu.vector_store %arg6[%swap3A_586, %swap3A_587], %swap3A_590 {strides = array<i32>} : memref<64x768xf32, #tpu.memory_space<vmem>>, vector<1x16xf32>,
      %get3A_591 = arith.index_cast %scan3A_18 : i32 to index
      %get3A_592 = arith.constant 656 : index
      %get3A_593 = tpu.vector_load %arg6[%get3A_591, %get3A_592] {strides = array<i32>} : memref<64x768xf32, #tpu.memory_space<vmem>>, vector<1x16xf32>,
      %get3A_594 = vector.shape_cast %get3A_593 : vector<1x16xf32> to vector<16xf32>
      %get3A_595 = arith.index_cast %scan3A_18 : i32 to index
      %get3A_596 = arith.constant 656 : index
      %get3A_597 = tpu.vector_load %arg7[%get3A_595, %get3A_596] {strides = array<i32>} : memref<64x768xf32, #tpu.memory_space<vmem>>, vector<1x16xf32>,
      %get3A_598 = vector.shape_cast %get3A_597 : vector<1x16xf32> to vector<16xf32>
      %add3A_599 = arith.addf %get3A_594, %get3A_598 : vector<16xf32>
      %swap3A_600 = arith.index_cast %scan3A_18 : i32 to index
      %swap3A_601 = arith.constant 656 : index
      %swap3A_602 = tpu.vector_load %arg6[%swap3A_600, %swap3A_601] {strides = array<i32>} : memref<64x768xf32, #tpu.memory_space<vmem>>, vector<1x16xf32>,
      %swap3A_603 = vector.shape_cast %swap3A_602 : vector<1x16xf32> to vector<16xf32>
      %swap3A_604 = vector.shape_cast %add3A_599 : vector<16xf32> to vector<1x16xf32>
      tpu.vector_store %arg6[%swap3A_600, %swap3A_601], %swap3A_604 {strides = array<i32>} : memref<64x768xf32, #tpu.memory_space<vmem>>, vector<1x16xf32>,
      %get3A_605 = arith.index_cast %scan3A_18 : i32 to index
      %get3A_606 = arith.constant 672 : index
      %get3A_607 = tpu.vector_load %arg6[%get3A_605, %get3A_606] {strides = array<i32>} : memref<64x768xf32, #tpu.memory_space<vmem>>, vector<1x16xf32>,
      %get3A_608 = vector.shape_cast %get3A_607 : vector<1x16xf32> to vector<16xf32>
      %get3A_609 = arith.index_cast %scan3A_18 : i32 to index
      %get3A_610 = arith.constant 672 : index
      %get3A_611 = tpu.vector_load %arg7[%get3A_609, %get3A_610] {strides = array<i32>} : memref<64x768xf32, #tpu.memory_space<vmem>>, vector<1x16xf32>,
      %get3A_612 = vector.shape_cast %get3A_611 : vector<1x16xf32> to vector<16xf32>
      %add3A_613 = arith.addf %get3A_608, %get3A_612 : vector<16xf32>
      %swap3A_614 = arith.index_cast %scan3A_18 : i32 to index
      %swap3A_615 = arith.constant 672 : index
      %swap3A_616 = tpu.vector_load %arg6[%swap3A_614, %swap3A_615] {strides = array<i32>} : memref<64x768xf32, #tpu.memory_space<vmem>>, vector<1x16xf32>,
      %swap3A_617 = vector.shape_cast %swap3A_616 : vector<1x16xf32> to vector<16xf32>
      %swap3A_618 = vector.shape_cast %add3A_613 : vector<16xf32> to vector<1x16xf32>
      tpu.vector_store %arg6[%swap3A_614, %swap3A_615], %swap3A_618 {strides = array<i32>} : memref<64x768xf32, #tpu.memory_space<vmem>>, vector<1x16xf32>,
      %get3A_619 = arith.index_cast %scan3A_18 : i32 to index
      %get3A_620 = arith.constant 688 : index
      %get3A_621 = tpu.vector_load %arg6[%get3A_619, %get3A_620] {strides = array<i32>} : memref<64x768xf32, #tpu.memory_space<vmem>>, vector<1x16xf32>,
      %get3A_622 = vector.shape_cast %get3A_621 : vector<1x16xf32> to vector<16xf32>
      %get3A_623 = arith.index_cast %scan3A_18 : i32 to index
      %get3A_624 = arith.constant 688 : index
      %get3A_625 = tpu.vector_load %arg7[%get3A_623, %get3A_624] {strides = array<i32>} : memref<64x768xf32, #tpu.memory_space<vmem>>, vector<1x16xf32>,
      %get3A_626 = vector.shape_cast %get3A_625 : vector<1x16xf32> to vector<16xf32>
      %add3A_627 = arith.addf %get3A_622, %get3A_626 : vector<16xf32>
      %swap3A_628 = arith.index_cast %scan3A_18 : i32 to index
      %swap3A_629 = arith.constant 688 : index
      %swap3A_630 = tpu.vector_load %arg6[%swap3A_628, %swap3A_629] {strides = array<i32>} : memref<64x768xf32, #tpu.memory_space<vmem>>, vector<1x16xf32>,
      %swap3A_631 = vector.shape_cast %swap3A_630 : vector<1x16xf32> to vector<16xf32>
      %swap3A_632 = vector.shape_cast %add3A_627 : vector<16xf32> to vector<1x16xf32>
      tpu.vector_store %arg6[%swap3A_628, %swap3A_629], %swap3A_632 {strides = array<i32>} : memref<64x768xf32, #tpu.memory_space<vmem>>, vector<1x16xf32>,
      %get3A_633 = arith.index_cast %scan3A_18 : i32 to index
      %get3A_634 = arith.constant 704 : index
      %get3A_635 = tpu.vector_load %arg6[%get3A_633, %get3A_634] {strides = array<i32>} : memref<64x768xf32, #tpu.memory_space<vmem>>, vector<1x16xf32>,
      %get3A_636 = vector.shape_cast %get3A_635 : vector<1x16xf32> to vector<16xf32>
      %get3A_637 = arith.index_cast %scan3A_18 : i32 to index
      %get3A_638 = arith.constant 704 : index
      %get3A_639 = tpu.vector_load %arg7[%get3A_637, %get3A_638] {strides = array<i32>} : memref<64x768xf32, #tpu.memory_space<vmem>>, vector<1x16xf32>,
      %get3A_640 = vector.shape_cast %get3A_639 : vector<1x16xf32> to vector<16xf32>
      %add3A_641 = arith.addf %get3A_636, %get3A_640 : vector<16xf32>
      %swap3A_642 = arith.index_cast %scan3A_18 : i32 to index
      %swap3A_643 = arith.constant 704 : index
      %swap3A_644 = tpu.vector_load %arg6[%swap3A_642, %swap3A_643] {strides = array<i32>} : memref<64x768xf32, #tpu.memory_space<vmem>>, vector<1x16xf32>,
      %swap3A_645 = vector.shape_cast %swap3A_644 : vector<1x16xf32> to vector<16xf32>
      %swap3A_646 = vector.shape_cast %add3A_641 : vector<16xf32> to vector<1x16xf32>
      tpu.vector_store %arg6[%swap3A_642, %swap3A_643], %swap3A_646 {strides = array<i32>} : memref<64x768xf32, #tpu.memory_space<vmem>>, vector<1x16xf32>,
      %get3A_647 = arith.index_cast %scan3A_18 : i32 to index
      %get3A_648 = arith.constant 720 : index
      %get3A_649 = tpu.vector_load %arg6[%get3A_647, %get3A_648] {strides = array<i32>} : memref<64x768xf32, #tpu.memory_space<vmem>>, vector<1x16xf32>,
      %get3A_650 = vector.shape_cast %get3A_649 : vector<1x16xf32> to vector<16xf32>
      %get3A_651 = arith.index_cast %scan3A_18 : i32 to index
      %get3A_652 = arith.constant 720 : index
      %get3A_653 = tpu.vector_load %arg7[%get3A_651, %get3A_652] {strides = array<i32>} : memref<64x768xf32, #tpu.memory_space<vmem>>, vector<1x16xf32>,
      %get3A_654 = vector.shape_cast %get3A_653 : vector<1x16xf32> to vector<16xf32>
      %add3A_655 = arith.addf %get3A_650, %get3A_654 : vector<16xf32>
      %swap3A_656 = arith.index_cast %scan3A_18 : i32 to index
      %swap3A_657 = arith.constant 720 : index
      %swap3A_658 = tpu.vector_load %arg6[%swap3A_656, %swap3A_657] {strides = array<i32>} : memref<64x768xf32, #tpu.memory_space<vmem>>, vector<1x16xf32>,
      %swap3A_659 = vector.shape_cast %swap3A_658 : vector<1x16xf32> to vector<16xf32>
      %swap3A_660 = vector.shape_cast %add3A_655 : vector<16xf32> to vector<1x16xf32>
      tpu.vector_store %arg6[%swap3A_656, %swap3A_657], %swap3A_660 {strides = array<i32>} : memref<64x768xf32, #tpu.memory_space<vmem>>, vector<1x16xf32>,
      %get3A_661 = arith.index_cast %scan3A_18 : i32 to index
      %get3A_662 = arith.constant 736 : index
      %get3A_663 = tpu.vector_load %arg6[%get3A_661, %get3A_662] {strides = array<i32>} : memref<64x768xf32, #tpu.memory_space<vmem>>, vector<1x16xf32>,
      %get3A_664 = vector.shape_cast %get3A_663 : vector<1x16xf32> to vector<16xf32>
      %get3A_665 = arith.index_cast %scan3A_18 : i32 to index
      %get3A_666 = arith.constant 736 : index
      %get3A_667 = tpu.vector_load %arg7[%get3A_665, %get3A_666] {strides = array<i32>} : memref<64x768xf32, #tpu.memory_space<vmem>>, vector<1x16xf32>,
      %get3A_668 = vector.shape_cast %get3A_667 : vector<1x16xf32> to vector<16xf32>
      %add3A_669 = arith.addf %get3A_664, %get3A_668 : vector<16xf32>
      %swap3A_670 = arith.index_cast %scan3A_18 : i32 to index
      %swap3A_671 = arith.constant 736 : index
      %swap3A_672 = tpu.vector_load %arg6[%swap3A_670, %swap3A_671] {strides = array<i32>} : memref<64x768xf32, #tpu.memory_space<vmem>>, vector<1x16xf32>,
      %swap3A_673 = vector.shape_cast %swap3A_672 : vector<1x16xf32> to vector<16xf32>
      %swap3A_674 = vector.shape_cast %add3A_669 : vector<16xf32> to vector<1x16xf32>
      tpu.vector_store %arg6[%swap3A_670, %swap3A_671], %swap3A_674 {strides = array<i32>} : memref<64x768xf32, #tpu.memory_space<vmem>>, vector<1x16xf32>,
      %get3A_675 = arith.index_cast %scan3A_18 : i32 to index
      %get3A_676 = arith.constant 752 : index
      %get3A_677 = tpu.vector_load %arg6[%get3A_675, %get3A_676] {strides = array<i32>} : memref<64x768xf32, #tpu.memory_space<vmem>>, vector<1x16xf32>,
      %get3A_678 = vector.shape_cast %get3A_677 : vector<1x16xf32> to vector<16xf32>
      %get3A_679 = arith.index_cast %scan3A_18 : i32 to index
      %get3A_680 = arith.constant 752 : index
      %get3A_681 = tpu.vector_load %arg7[%get3A_679, %get3A_680] {strides = array<i32>} : memref<64x768xf32, #tpu.memory_space<vmem>>, vector<1x16xf32>,
      %get3A_682 = vector.shape_cast %get3A_681 : vector<1x16xf32> to vector<16xf32>
      %add3A_683 = arith.addf %get3A_678, %get3A_682 : vector<16xf32>
      %swap3A_684 = arith.index_cast %scan3A_18 : i32 to index
      %swap3A_685 = arith.constant 752 : index
      %swap3A_686 = tpu.vector_load %arg6[%swap3A_684, %swap3A_685] {strides = array<i32>} : memref<64x768xf32, #tpu.memory_space<vmem>>, vector<1x16xf32>,
      %swap3A_687 = vector.shape_cast %swap3A_686 : vector<1x16xf32> to vector<16xf32>
      %swap3A_688 = vector.shape_cast %add3A_683 : vector<16xf32> to vector<1x16xf32>
      tpu.vector_store %arg6[%swap3A_684, %swap3A_685], %swap3A_688 {strides = array<i32>} : memref<64x768xf32, #tpu.memory_space<vmem>>, vector<1x16xf32>,
    }
    %scan3A_17 = arith.constant 64 : i32
    "tpu.region"() ({
      %run_scoped3A = tpu.sem_alloc : memref<!tpu.dma_semaphore, #tpu.memory_space<semaphore_mem>>
      %dma_start3A_18 = arith.constant 0 : i32
      %dma_start3A_19 = tpu.memref_slice %arg5[%mul3A_2, %dma_start3A_18] : memref<2048x768xf32, #tpu.memory_space<hbm>> -> memref<64x768xf32, #tpu.memory_space<hbm>>
      %dma_start3A_20 = arith.constant 0 : i32
      %dma_start3A_21 = tpu.memref_slice %arg5[%mul3A_2, %dma_start3A_20] : memref<2048x768xf32, #tpu.memory_space<hbm>> -> memref<64x768xf32, #tpu.memory_space<hbm>>
      tpu.enqueue_dma source(%arg6 : memref<64x768xf32, #tpu.memory_space<vmem>>) target(%dma_start3A_21 : memref<64x768xf32, #tpu.memory_space<hbm>>) target_semaphore(%run_scoped3A : memref<!tpu.dma_semaphore, #tpu.memory_space<semaphore_mem>>)
      %dma_wait3A_22 = arith.constant 0 : i32
      %dma_wait3A_23 = tpu.memref_slice %arg5[%mul3A_2, %dma_wait3A_22] : memref<2048x768xf32, #tpu.memory_space<hbm>> -> memref<64x768xf32, #tpu.memory_space<hbm>>
      %dma_wait3A_24 = arith.constant 0 : i32
      %dma_wait3A_25 = tpu.memref_slice %arg5[%mul3A_2, %dma_wait3A_24] : memref<2048x768xf32, #tpu.memory_space<hbm>> -> memref<64x768xf32, #tpu.memory_space<hbm>>
      tpu.wait_dma2 semaphore(%run_scoped3A : memref<!tpu.dma_semaphore, #tpu.memory_space<semaphore_mem>>) src(%arg6 : memref<64x768xf32, #tpu.memory_space<vmem>>) dst(%dma_wait3A_25 : memref<64x768xf32, #tpu.memory_space<hbm>>)
      tpu.yield
    }) : () -> ()
    return
  }
}

#map = affine_map<(d0, d1) -> (0, 0)>
#map1 = affine_map<(d0, d1) -> (0)>
module attributes {stable_mosaic.version = 14 : i64} {
  func.func @_dispatch(%arg0: i32, %arg1: i32, %arg2: memref<2048x768xf32, #tpu.memory_space<hbm>>, %arg3: memref<2048xi32, #tpu.memory_space<hbm>>, %arg4: memref<2048xi32, #tpu.memory_space<hbm>>, %arg5: memref<2048xf32, #tpu.memory_space<hbm>>, %arg6: memref<2048xf32, #tpu.memory_space<hbm>>, %arg7: memref<5120x768xf32, #tpu.memory_space<hbm>>, %arg8: memref<5120xf32, #tpu.memory_space<hbm>>, %arg9: memref<64x768xf32, #tpu.memory_space<vmem>>, %arg10: memref<64xi32, #tpu.memory_space<vmem>>, %arg11: memref<64xi32, #tpu.memory_space<vmem>>, %arg12: memref<64xf32, #tpu.memory_space<vmem>>, %arg13: memref<64xf32, #tpu.memory_space<vmem>>, %arg14: memref<!tpu.dma_semaphore, #tpu.memory_space<semaphore_mem>>) attributes {dimension_semantics = [#tpu.dimension_semantics<core_parallel>, #tpu.dimension_semantics<subcore_parallel>], iteration_bounds = array<i64: 2, 16>, scalar_prefetch = 0 : i64, scratch_operands = 6 : i64, tpu.core_type = #tpu.core_type<sc_vector_subcore>, window_params = [{transform_indices = #map}, {transform_indices = #map1}, {transform_indices = #map1}, {transform_indices = #map1}, {transform_indices = #map1}, {transform_indices = #map}, {transform_indices = #map1}]} {
    %mul3A = arith.constant 2 : i32
    %mul3A_0 = arith.muli %arg1, %mul3A : i32
    %add3A = arith.addi %mul3A_0, %arg0 : i32
    %mul3A_1 = arith.constant 64 : i32
    %mul3A_2 = arith.muli %add3A, %mul3A_1 : i32
    "tpu.region"() ({
      %run_scoped3A = tpu.sem_alloc : memref<!tpu.dma_semaphore, #tpu.memory_space<semaphore_mem>>
      %dma_start3A_21 = arith.constant 0 : i32
      %dma_start3A_22 = tpu.memref_slice %arg2[%mul3A_2, %dma_start3A_21] : memref<2048x768xf32, #tpu.memory_space<hbm>> -> memref<64x768xf32, #tpu.memory_space<hbm>>
      %dma_start3A_23 = arith.constant 0 : i32
      %dma_start3A_24 = tpu.memref_slice %arg2[%mul3A_2, %dma_start3A_23] : memref<2048x768xf32, #tpu.memory_space<hbm>> -> memref<64x768xf32, #tpu.memory_space<hbm>>
      tpu.enqueue_dma source(%dma_start3A_24 : memref<64x768xf32, #tpu.memory_space<hbm>>) target(%arg9 : memref<64x768xf32, #tpu.memory_space<vmem>>) target_semaphore(%run_scoped3A : memref<!tpu.dma_semaphore, #tpu.memory_space<semaphore_mem>>)
      %dma_wait3A_25 = arith.constant 0 : i32
      %dma_wait3A_26 = tpu.memref_slice %arg2[%mul3A_2, %dma_wait3A_25] : memref<2048x768xf32, #tpu.memory_space<hbm>> -> memref<64x768xf32, #tpu.memory_space<hbm>>
      %dma_wait3A_27 = arith.constant 0 : i32
      %dma_wait3A_28 = tpu.memref_slice %arg2[%mul3A_2, %dma_wait3A_27] : memref<2048x768xf32, #tpu.memory_space<hbm>> -> memref<64x768xf32, #tpu.memory_space<hbm>>
      tpu.wait_dma2 semaphore(%run_scoped3A : memref<!tpu.dma_semaphore, #tpu.memory_space<semaphore_mem>>) src(%dma_wait3A_28 : memref<64x768xf32, #tpu.memory_space<hbm>>) dst(%arg9 : memref<64x768xf32, #tpu.memory_space<vmem>>)
      tpu.yield
    }) : () -> ()
    "tpu.region"() ({
      %run_scoped3A = tpu.sem_alloc : memref<!tpu.dma_semaphore, #tpu.memory_space<semaphore_mem>>
      %dma_start3A_21 = tpu.memref_slice %arg3[%mul3A_2] : memref<2048xi32, #tpu.memory_space<hbm>> -> memref<64xi32, #tpu.memory_space<hbm>>
      %dma_start3A_22 = tpu.memref_slice %arg3[%mul3A_2] : memref<2048xi32, #tpu.memory_space<hbm>> -> memref<64xi32, #tpu.memory_space<hbm>>
      tpu.enqueue_dma source(%dma_start3A_22 : memref<64xi32, #tpu.memory_space<hbm>>) target(%arg10 : memref<64xi32, #tpu.memory_space<vmem>>) target_semaphore(%run_scoped3A : memref<!tpu.dma_semaphore, #tpu.memory_space<semaphore_mem>>)
      %dma_wait3A_23 = tpu.memref_slice %arg3[%mul3A_2] : memref<2048xi32, #tpu.memory_space<hbm>> -> memref<64xi32, #tpu.memory_space<hbm>>
      %dma_wait3A_24 = tpu.memref_slice %arg3[%mul3A_2] : memref<2048xi32, #tpu.memory_space<hbm>> -> memref<64xi32, #tpu.memory_space<hbm>>
      tpu.wait_dma2 semaphore(%run_scoped3A : memref<!tpu.dma_semaphore, #tpu.memory_space<semaphore_mem>>) src(%dma_wait3A_24 : memref<64xi32, #tpu.memory_space<hbm>>) dst(%arg10 : memref<64xi32, #tpu.memory_space<vmem>>)
      tpu.yield
    }) : () -> ()
    "tpu.region"() ({
      %run_scoped3A = tpu.sem_alloc : memref<!tpu.dma_semaphore, #tpu.memory_space<semaphore_mem>>
      %dma_start3A_21 = tpu.memref_slice %arg4[%mul3A_2] : memref<2048xi32, #tpu.memory_space<hbm>> -> memref<64xi32, #tpu.memory_space<hbm>>
      %dma_start3A_22 = tpu.memref_slice %arg4[%mul3A_2] : memref<2048xi32, #tpu.memory_space<hbm>> -> memref<64xi32, #tpu.memory_space<hbm>>
      tpu.enqueue_dma source(%dma_start3A_22 : memref<64xi32, #tpu.memory_space<hbm>>) target(%arg11 : memref<64xi32, #tpu.memory_space<vmem>>) target_semaphore(%run_scoped3A : memref<!tpu.dma_semaphore, #tpu.memory_space<semaphore_mem>>)
      %dma_wait3A_23 = tpu.memref_slice %arg4[%mul3A_2] : memref<2048xi32, #tpu.memory_space<hbm>> -> memref<64xi32, #tpu.memory_space<hbm>>
      %dma_wait3A_24 = tpu.memref_slice %arg4[%mul3A_2] : memref<2048xi32, #tpu.memory_space<hbm>> -> memref<64xi32, #tpu.memory_space<hbm>>
      tpu.wait_dma2 semaphore(%run_scoped3A : memref<!tpu.dma_semaphore, #tpu.memory_space<semaphore_mem>>) src(%dma_wait3A_24 : memref<64xi32, #tpu.memory_space<hbm>>) dst(%arg11 : memref<64xi32, #tpu.memory_space<vmem>>)
      tpu.yield
    }) : () -> ()
    "tpu.region"() ({
      %run_scoped3A = tpu.sem_alloc : memref<!tpu.dma_semaphore, #tpu.memory_space<semaphore_mem>>
      %dma_start3A_21 = tpu.memref_slice %arg5[%mul3A_2] : memref<2048xf32, #tpu.memory_space<hbm>> -> memref<64xf32, #tpu.memory_space<hbm>>
      %dma_start3A_22 = tpu.memref_slice %arg5[%mul3A_2] : memref<2048xf32, #tpu.memory_space<hbm>> -> memref<64xf32, #tpu.memory_space<hbm>>
      tpu.enqueue_dma source(%dma_start3A_22 : memref<64xf32, #tpu.memory_space<hbm>>) target(%arg12 : memref<64xf32, #tpu.memory_space<vmem>>) target_semaphore(%run_scoped3A : memref<!tpu.dma_semaphore, #tpu.memory_space<semaphore_mem>>)
      %dma_wait3A_23 = tpu.memref_slice %arg5[%mul3A_2] : memref<2048xf32, #tpu.memory_space<hbm>> -> memref<64xf32, #tpu.memory_space<hbm>>
      %dma_wait3A_24 = tpu.memref_slice %arg5[%mul3A_2] : memref<2048xf32, #tpu.memory_space<hbm>> -> memref<64xf32, #tpu.memory_space<hbm>>
      tpu.wait_dma2 semaphore(%run_scoped3A : memref<!tpu.dma_semaphore, #tpu.memory_space<semaphore_mem>>) src(%dma_wait3A_24 : memref<64xf32, #tpu.memory_space<hbm>>) dst(%arg12 : memref<64xf32, #tpu.memory_space<vmem>>)
      tpu.yield
    }) : () -> ()
    "tpu.region"() ({
      %run_scoped3A = tpu.sem_alloc : memref<!tpu.dma_semaphore, #tpu.memory_space<semaphore_mem>>
      %dma_start3A_21 = tpu.memref_slice %arg6[%mul3A_2] : memref<2048xf32, #tpu.memory_space<hbm>> -> memref<64xf32, #tpu.memory_space<hbm>>
      %dma_start3A_22 = tpu.memref_slice %arg6[%mul3A_2] : memref<2048xf32, #tpu.memory_space<hbm>> -> memref<64xf32, #tpu.memory_space<hbm>>
      tpu.enqueue_dma source(%dma_start3A_22 : memref<64xf32, #tpu.memory_space<hbm>>) target(%arg13 : memref<64xf32, #tpu.memory_space<vmem>>) target_semaphore(%run_scoped3A : memref<!tpu.dma_semaphore, #tpu.memory_space<semaphore_mem>>)
      %dma_wait3A_23 = tpu.memref_slice %arg6[%mul3A_2] : memref<2048xf32, #tpu.memory_space<hbm>> -> memref<64xf32, #tpu.memory_space<hbm>>
      %dma_wait3A_24 = tpu.memref_slice %arg6[%mul3A_2] : memref<2048xf32, #tpu.memory_space<hbm>> -> memref<64xf32, #tpu.memory_space<hbm>>
      tpu.wait_dma2 semaphore(%run_scoped3A : memref<!tpu.dma_semaphore, #tpu.memory_space<semaphore_mem>>) src(%dma_wait3A_24 : memref<64xf32, #tpu.memory_space<hbm>>) dst(%arg13 : memref<64xf32, #tpu.memory_space<vmem>>)
      tpu.yield
    }) : () -> ()
    %dma_start3A = arith.constant 0 : i32
    %dma_start3A_3 = arith.constant 0 : i32
    %dma_start3A_4 = tpu.memref_slice %arg7[%dma_start3A, %dma_start3A_3] : memref<5120x768xf32, #tpu.memory_space<hbm>> -> memref<5120x768xf32, #tpu.memory_space<hbm>>
    tpu.enqueue_indirect_dma source(%arg9 : memref<64x768xf32, #tpu.memory_space<vmem>>) target(%dma_start3A_4 : memref<5120x768xf32, #tpu.memory_space<hbm>>) offsets(%arg10 : memref<64xi32, #tpu.memory_space<vmem>>) semaphore(%arg14 : memref<!tpu.dma_semaphore, #tpu.memory_space<semaphore_mem>>)
    %dma_wait3A = arith.constant 0 : i32
    %dma_wait3A_5 = arith.constant 0 : i32
    %dma_wait3A_6 = tpu.memref_slice %arg7[%dma_wait3A, %dma_wait3A_5] : memref<5120x768xf32, #tpu.memory_space<hbm>> -> memref<5120x768xf32, #tpu.memory_space<hbm>>
    tpu.wait_indirect_dma semaphore(%arg14 : memref<!tpu.dma_semaphore, #tpu.memory_space<semaphore_mem>>) src(%arg9 : memref<64x768xf32, #tpu.memory_space<vmem>>) dst(%dma_wait3A_6 : memref<5120x768xf32, #tpu.memory_space<hbm>>)
    %dma_start3A_7 = arith.constant 0 : i32
    %dma_start3A_8 = arith.constant 0 : i32
    %dma_start3A_9 = tpu.memref_slice %arg7[%dma_start3A_7, %dma_start3A_8] : memref<5120x768xf32, #tpu.memory_space<hbm>> -> memref<5120x768xf32, #tpu.memory_space<hbm>>
    tpu.enqueue_indirect_dma source(%arg9 : memref<64x768xf32, #tpu.memory_space<vmem>>) target(%dma_start3A_9 : memref<5120x768xf32, #tpu.memory_space<hbm>>) offsets(%arg11 : memref<64xi32, #tpu.memory_space<vmem>>) semaphore(%arg14 : memref<!tpu.dma_semaphore, #tpu.memory_space<semaphore_mem>>)
    %dma_wait3A_10 = arith.constant 0 : i32
    %dma_wait3A_11 = arith.constant 0 : i32
    %dma_wait3A_12 = tpu.memref_slice %arg7[%dma_wait3A_10, %dma_wait3A_11] : memref<5120x768xf32, #tpu.memory_space<hbm>> -> memref<5120x768xf32, #tpu.memory_space<hbm>>
    tpu.wait_indirect_dma semaphore(%arg14 : memref<!tpu.dma_semaphore, #tpu.memory_space<semaphore_mem>>) src(%arg9 : memref<64x768xf32, #tpu.memory_space<vmem>>) dst(%dma_wait3A_12 : memref<5120x768xf32, #tpu.memory_space<hbm>>)
    %dma_start3A_13 = arith.constant 0 : i32
    %dma_start3A_14 = tpu.memref_slice %arg8[%dma_start3A_13] : memref<5120xf32, #tpu.memory_space<hbm>> -> memref<5120xf32, #tpu.memory_space<hbm>>
    tpu.enqueue_indirect_dma source(%arg12 : memref<64xf32, #tpu.memory_space<vmem>>) target(%dma_start3A_14 : memref<5120xf32, #tpu.memory_space<hbm>>) offsets(%arg10 : memref<64xi32, #tpu.memory_space<vmem>>) semaphore(%arg14 : memref<!tpu.dma_semaphore, #tpu.memory_space<semaphore_mem>>)
    %dma_wait3A_15 = arith.constant 0 : i32
    %dma_wait3A_16 = tpu.memref_slice %arg8[%dma_wait3A_15] : memref<5120xf32, #tpu.memory_space<hbm>> -> memref<5120xf32, #tpu.memory_space<hbm>>
    tpu.wait_indirect_dma semaphore(%arg14 : memref<!tpu.dma_semaphore, #tpu.memory_space<semaphore_mem>>) src(%arg12 : memref<64xf32, #tpu.memory_space<vmem>>) dst(%dma_wait3A_16 : memref<5120xf32, #tpu.memory_space<hbm>>)
    %dma_start3A_17 = arith.constant 0 : i32
    %dma_start3A_18 = tpu.memref_slice %arg8[%dma_start3A_17] : memref<5120xf32, #tpu.memory_space<hbm>> -> memref<5120xf32, #tpu.memory_space<hbm>>
    tpu.enqueue_indirect_dma source(%arg13 : memref<64xf32, #tpu.memory_space<vmem>>) target(%dma_start3A_18 : memref<5120xf32, #tpu.memory_space<hbm>>) offsets(%arg11 : memref<64xi32, #tpu.memory_space<vmem>>) semaphore(%arg14 : memref<!tpu.dma_semaphore, #tpu.memory_space<semaphore_mem>>)
    %dma_wait3A_19 = arith.constant 0 : i32
    %dma_wait3A_20 = tpu.memref_slice %arg8[%dma_wait3A_19] : memref<5120xf32, #tpu.memory_space<hbm>> -> memref<5120xf32, #tpu.memory_space<hbm>>
    tpu.wait_indirect_dma semaphore(%arg14 : memref<!tpu.dma_semaphore, #tpu.memory_space<semaphore_mem>>) src(%arg13 : memref<64xf32, #tpu.memory_space<vmem>>) dst(%dma_wait3A_20 : memref<5120xf32, #tpu.memory_space<hbm>>)
    return
  }
}

module attributes {stable_mosaic.version = 14 : i64} {
  func.func @_gate_kernel(%arg0: memref<2048x768xf32, #tpu.memory_space<vmem>>, %arg1: memref<768x8xf32, #tpu.memory_space<vmem>>, %arg2: memref<2048x1xi32, #tpu.memory_space<vmem>>, %arg3: memref<2048x1xi32, #tpu.memory_space<vmem>>, %arg4: memref<2048x1xf32, #tpu.memory_space<vmem>>, %arg5: memref<2048x1xf32, #tpu.memory_space<vmem>>, %arg6: memref<8x40xi32, #tpu.memory_space<vmem>>) attributes {dimension_semantics = [], scalar_prefetch = 0 : i64, scratch_operands = 0 : i64, tpu.core_type = #tpu.core_type<tc>} {
    %get3A = arith.constant 0 : index
    %get3A_0 = arith.constant 0 : index
    %get3A_1 = vector.load %arg0[%get3A, %get3A_0] : memref<2048x768xf32, #tpu.memory_space<vmem>>, vector<2048x768xf32>
    %get3A_2 = arith.constant 0 : index
    %get3A_3 = arith.constant 0 : index
    %get3A_4 = vector.load %arg1[%get3A_2, %get3A_3] : memref<768x8xf32, #tpu.memory_space<vmem>>, vector<768x8xf32>
    %dot_general3A = arith.constant dense<0.000000e+00> : vector<2048x8xf32>
    %dot_general3A_5 = tpu.matmul %get3A_1, %get3A_4, %dot_general3A {dimension_numbers = #tpu.dot_dimension_numbers<[1], [0], [0], [1], [0, 0, 1, 1], [], []>, transpose_lhs_hint = false} : vector<2048x768xf32>, vector<768x8xf32>, vector<2048x8xf32> -> vector<2048x8xf32>
    %iota3A = tpu.iota {dimensions = array<i32: 1>} : vector<2048x8xi32>
    %reduce_max3A = arith.constant dense<0xFF800000> : vector<2048xf32>
    %reduce_max3A_6 = vector.multi_reduction <maximumf>, %dot_general3A_5, %reduce_max3A [1] : vector<2048x8xf32> to vector<2048xf32>
    %broadcast_in_dim3A = vector.shape_cast %reduce_max3A_6 : vector<2048xf32> to vector<2048x1xf32>
    %eq3A = vector.broadcast %broadcast_in_dim3A : vector<2048x1xf32> to vector<2048x8xf32>
    %eq3A_7 = arith.cmpf oeq, %dot_general3A_5, %eq3A : vector<2048x8xf32>
    %jit3A = arith.constant 8 : i32
    %broadcast_in_dim3A_8 = vector.broadcast %jit3A : i32 to vector<2048x8xi32>
    %select_n3A = arith.select %eq3A_7, %iota3A, %broadcast_in_dim3A_8 : vector<2048x8xi1>, vector<2048x8xi32>
    %reduce_min3A = arith.constant dense<2147483647> : vector<2048xi32>
    %reduce_min3A_9 = vector.multi_reduction <minsi>, %select_n3A, %reduce_min3A [1] : vector<2048x8xi32> to vector<2048xi32>
    %broadcast_in_dim3A_10 = vector.shape_cast %reduce_min3A_9 : vector<2048xi32> to vector<2048x1xi32>
    %eq3A_11 = vector.broadcast %broadcast_in_dim3A_10 : vector<2048x1xi32> to vector<2048x8xi32>
    %eq3A_12 = arith.cmpi eq, %iota3A, %eq3A_11 : vector<2048x8xi32>
    %jit3A_13 = arith.constant 0xFF800000 : f32
    %broadcast_in_dim3A_14 = vector.broadcast %jit3A_13 : f32 to vector<2048x8xf32>
    %select_n3A_15 = arith.select %eq3A_12, %broadcast_in_dim3A_14, %dot_general3A_5 : vector<2048x8xi1>, vector<2048x8xf32>
    %reduce_max3A_16 = arith.constant dense<0xFF800000> : vector<2048xf32>
    %reduce_max3A_17 = vector.multi_reduction <maximumf>, %select_n3A_15, %reduce_max3A_16 [1] : vector<2048x8xf32> to vector<2048xf32>
    %broadcast_in_dim3A_18 = vector.shape_cast %reduce_max3A_17 : vector<2048xf32> to vector<2048x1xf32>
    %eq3A_19 = vector.broadcast %broadcast_in_dim3A_18 : vector<2048x1xf32> to vector<2048x8xf32>
    %eq3A_20 = arith.cmpf oeq, %select_n3A_15, %eq3A_19 : vector<2048x8xf32>
    %jit3A_21 = arith.constant 8 : i32
    %broadcast_in_dim3A_22 = vector.broadcast %jit3A_21 : i32 to vector<2048x8xi32>
    %select_n3A_23 = arith.select %eq3A_20, %iota3A, %broadcast_in_dim3A_22 : vector<2048x8xi1>, vector<2048x8xi32>
    %reduce_min3A_24 = arith.constant dense<2147483647> : vector<2048xi32>
    %reduce_min3A_25 = vector.multi_reduction <minsi>, %select_n3A_23, %reduce_min3A_24 [1] : vector<2048x8xi32> to vector<2048xi32>
    %broadcast_in_dim3A_26 = vector.shape_cast %reduce_min3A_25 : vector<2048xi32> to vector<2048x1xi32>
    %sub3A = arith.subf %broadcast_in_dim3A_18, %broadcast_in_dim3A : vector<2048x1xf32>
    %exp3A = math.exp %sub3A : vector<2048x1xf32>
    %add3A = arith.constant 1.000000e+00 : f32
    %add3A_27 = vector.broadcast %add3A : f32 to vector<2048x1xf32>
    %add3A_28 = arith.addf %add3A_27, %exp3A : vector<2048x1xf32>
    %div3A = arith.constant 1.000000e+00 : f32
    %div3A_29 = vector.broadcast %div3A : f32 to vector<2048x1xf32>
    %div3A_30 = arith.divf %div3A_29, %add3A_28 : vector<2048x1xf32>
    %swap3A = arith.constant 0 : index
    %swap3A_31 = arith.constant 0 : index
    %swap3A_32 = vector.load %arg4[%swap3A, %swap3A_31] : memref<2048x1xf32, #tpu.memory_space<vmem>>, vector<2048x1xf32>
    tpu.vector_store %arg4[%swap3A, %swap3A_31], %div3A_30 {strides = array<i32>} : memref<2048x1xf32, #tpu.memory_space<vmem>>, vector<2048x1xf32>,
    %sub3A_33 = arith.constant 1.000000e+00 : f32
    %sub3A_34 = vector.broadcast %sub3A_33 : f32 to vector<2048x1xf32>
    %sub3A_35 = arith.subf %sub3A_34, %div3A_30 : vector<2048x1xf32>
    %swap3A_36 = arith.constant 0 : index
    %swap3A_37 = arith.constant 0 : index
    %swap3A_38 = vector.load %arg5[%swap3A_36, %swap3A_37] : memref<2048x1xf32, #tpu.memory_space<vmem>>, vector<2048x1xf32>
    tpu.vector_store %arg5[%swap3A_36, %swap3A_37], %sub3A_35 {strides = array<i32>} : memref<2048x1xf32, #tpu.memory_space<vmem>>, vector<2048x1xf32>,
    %eq3A_39 = vector.broadcast %broadcast_in_dim3A_10 : vector<2048x1xi32> to vector<2048x8xi32>
    %eq3A_40 = arith.cmpi eq, %eq3A_39, %iota3A : vector<2048x8xi32>
    %convert_element_type3A = arith.extui %eq3A_40 : vector<2048x8xi1> to vector<2048x8xi32>
    %convert_element_type3A_41 = arith.sitofp %convert_element_type3A : vector<2048x8xi32> to vector<2048x8xf32>
    %eq3A_42 = vector.broadcast %broadcast_in_dim3A_26 : vector<2048x1xi32> to vector<2048x8xi32>
    %eq3A_43 = arith.cmpi eq, %eq3A_42, %iota3A : vector<2048x8xi32>
    %convert_element_type3A_44 = arith.extui %eq3A_43 : vector<2048x8xi1> to vector<2048x8xi32>
    %convert_element_type3A_45 = arith.sitofp %convert_element_type3A_44 : vector<2048x8xi32> to vector<2048x8xf32>
    %add3A_46 = arith.addf %convert_element_type3A_41, %convert_element_type3A_45 : vector<2048x8xf32>
    %iota3A_47 = tpu.iota {dimensions = array<i32: 0>} : vector<2048x2048xi32>
    %iota3A_48 = tpu.iota {dimensions = array<i32: 1>} : vector<2048x2048xi32>
    %lt3A = arith.cmpi slt, %iota3A_48, %iota3A_47 : vector<2048x2048xi32>
    %convert_element_type3A_49 = arith.extui %lt3A : vector<2048x2048xi1> to vector<2048x2048xi32>
    %convert_element_type3A_50 = arith.sitofp %convert_element_type3A_49 : vector<2048x2048xi32> to vector<2048x2048xf32>
    %dot_general3A_51 = arith.constant dense<0.000000e+00> : vector<2048x8xf32>
    %dot_general3A_52 = tpu.matmul %convert_element_type3A_50, %add3A_46, %dot_general3A_51 {dimension_numbers = #tpu.dot_dimension_numbers<[1], [0], [0], [1], [0, 0, 1, 1], [], []>, transpose_lhs_hint = false} : vector<2048x2048xf32>, vector<2048x8xf32>, vector<2048x8xf32> -> vector<2048x8xf32>
    %slice3A = vector.extract_strided_slice %dot_general3A_52 {offsets = [2047, 0], sizes = [1, 8], strides = [1, 1]} : vector<2048x8xf32> to vector<1x8xf32>
    %slice3A_53 = vector.extract_strided_slice %add3A_46 {offsets = [2047, 0], sizes = [1, 8], strides = [1, 1]} : vector<2048x8xf32> to vector<1x8xf32>
    %add3A_54 = arith.addf %slice3A, %slice3A_53 : vector<1x8xf32>
    %convert_element_type3A_55 = arith.fptosi %add3A_54 : vector<1x8xf32> to vector<1x8xi32>
    %add3A_56 = arith.constant 127 : i32
    %add3A_57 = vector.broadcast %add3A_56 : i32 to vector<1x8xi32>
    %add3A_58 = arith.addi %convert_element_type3A_55, %add3A_57 : vector<1x8xi32>
    %jit3A_59 = arith.constant 128 : i32
    %div3A_60 = vector.broadcast %jit3A_59 : i32 to vector<1x8xi32>
    %div3A_61 = arith.divsi %add3A_58, %div3A_60 : vector<1x8xi32>
    %sign3A = arith.constant 0 : i32
    %sign3A_62 = vector.broadcast %sign3A : i32 to vector<1x8xi32>
    %sign3A_63 = arith.cmpi sgt, %add3A_58, %sign3A_62 : vector<1x8xi32>
    %sign3A_64 = arith.extui %sign3A_63 : vector<1x8xi1> to vector<1x8xi32>
    %sign3A_65 = arith.constant 0 : i32
    %sign3A_66 = vector.broadcast %sign3A_65 : i32 to vector<1x8xi32>
    %sign3A_67 = arith.cmpi slt, %add3A_58, %sign3A_66 : vector<1x8xi32>
    %sign3A_68 = arith.extui %sign3A_67 : vector<1x8xi1> to vector<1x8xi32>
    %sign3A_69 = arith.subi %sign3A_64, %sign3A_68 : vector<1x8xi32>
    %sign3A_70 = arith.constant 0 : i32
    %sign3A_71 = arith.cmpi sgt, %jit3A_59, %sign3A_70 : i32
    %sign3A_72 = arith.extui %sign3A_71 : i1 to i32
    %sign3A_73 = arith.constant 0 : i32
    %sign3A_74 = arith.cmpi slt, %jit3A_59, %sign3A_73 : i32
    %sign3A_75 = arith.extui %sign3A_74 : i1 to i32
    %sign3A_76 = arith.subi %sign3A_72, %sign3A_75 : i32
    %ne3A = vector.broadcast %sign3A_76 : i32 to vector<1x8xi32>
    %ne3A_77 = arith.cmpi ne, %sign3A_69, %ne3A : vector<1x8xi32>
    %rem3A = vector.broadcast %jit3A_59 : i32 to vector<1x8xi32>
    %rem3A_78 = arith.remsi %add3A_58, %rem3A : vector<1x8xi32>
    %ne3A_79 = arith.constant 0 : i32
    %ne3A_80 = vector.broadcast %ne3A_79 : i32 to vector<1x8xi32>
    %ne3A_81 = arith.cmpi ne, %rem3A_78, %ne3A_80 : vector<1x8xi32>
    %and3A = arith.andi %ne3A_77, %ne3A_81 : vector<1x8xi1>
    %sub3A_82 = arith.constant 1 : i32
    %sub3A_83 = vector.broadcast %sub3A_82 : i32 to vector<1x8xi32>
    %sub3A_84 = arith.subi %div3A_61, %sub3A_83 : vector<1x8xi32>
    %select_n3A_85 = arith.select %and3A, %sub3A_84, %div3A_61 : vector<1x8xi1>, vector<1x8xi32>
    %mul3A = arith.constant 128 : i32
    %mul3A_86 = vector.broadcast %mul3A : i32 to vector<1x8xi32>
    %mul3A_87 = arith.muli %select_n3A_85, %mul3A_86 : vector<1x8xi32>
    %convert_element_type3A_88 = arith.sitofp %mul3A_87 : vector<1x8xi32> to vector<1x8xf32>
    %iota3A_89 = tpu.iota {dimensions = array<i32: 1>} : vector<8x40xi32>
    %convert_element_type3A_90 = arith.sitofp %iota3A_89 : vector<8x40xi32> to vector<8x40xf32>
    %mul3A_91 = arith.constant 1.280000e+02 : f32
    %mul3A_92 = vector.broadcast %mul3A_91 : f32 to vector<8x40xf32>
    %mul3A_93 = arith.mulf %convert_element_type3A_90, %mul3A_92 : vector<8x40xf32>
    %broadcast_in_dim3A_94 = arith.constant 0.000000e+00 : f32
    %broadcast_in_dim3A_95 = vector.broadcast %broadcast_in_dim3A_94 : f32 to vector<8x40xf32>
    %broadcast_in_dim3A_96 = arith.constant 0.000000e+00 : f32
    %broadcast_in_dim3A_97 = vector.broadcast %broadcast_in_dim3A_96 : f32 to vector<1x1xf32>
    %slice3A_98 = vector.extract_strided_slice %convert_element_type3A_88 {offsets = [0, 0], sizes = [1, 1], strides = [1, 1]} : vector<1x8xf32> to vector<1x1xf32>
    %add3A_99 = arith.addf %broadcast_in_dim3A_97, %slice3A_98 : vector<1x1xf32>
    %ge3A = vector.broadcast %add3A_99 : vector<1x1xf32> to vector<8x40xf32>
    %ge3A_100 = arith.cmpf oge, %mul3A_93, %ge3A : vector<8x40xf32>
    %convert_element_type3A_101 = arith.extui %ge3A_100 : vector<8x40xi1> to vector<8x40xi32>
    %convert_element_type3A_102 = arith.sitofp %convert_element_type3A_101 : vector<8x40xi32> to vector<8x40xf32>
    %add3A_103 = arith.addf %broadcast_in_dim3A_95, %convert_element_type3A_102 : vector<8x40xf32>
    %slice3A_104 = vector.extract_strided_slice %convert_element_type3A_88 {offsets = [0, 1], sizes = [1, 1], strides = [1, 1]} : vector<1x8xf32> to vector<1x1xf32>
    %add3A_105 = arith.addf %add3A_99, %slice3A_104 : vector<1x1xf32>
    %ge3A_106 = vector.broadcast %add3A_105 : vector<1x1xf32> to vector<8x40xf32>
    %ge3A_107 = arith.cmpf oge, %mul3A_93, %ge3A_106 : vector<8x40xf32>
    %convert_element_type3A_108 = arith.extui %ge3A_107 : vector<8x40xi1> to vector<8x40xi32>
    %convert_element_type3A_109 = arith.sitofp %convert_element_type3A_108 : vector<8x40xi32> to vector<8x40xf32>
    %add3A_110 = arith.addf %add3A_103, %convert_element_type3A_109 : vector<8x40xf32>
    %slice3A_111 = vector.extract_strided_slice %convert_element_type3A_88 {offsets = [0, 2], sizes = [1, 1], strides = [1, 1]} : vector<1x8xf32> to vector<1x1xf32>
    %add3A_112 = arith.addf %add3A_105, %slice3A_111 : vector<1x1xf32>
    %ge3A_113 = vector.broadcast %add3A_112 : vector<1x1xf32> to vector<8x40xf32>
    %ge3A_114 = arith.cmpf oge, %mul3A_93, %ge3A_113 : vector<8x40xf32>
    %convert_element_type3A_115 = arith.extui %ge3A_114 : vector<8x40xi1> to vector<8x40xi32>
    %convert_element_type3A_116 = arith.sitofp %convert_element_type3A_115 : vector<8x40xi32> to vector<8x40xf32>
    %add3A_117 = arith.addf %add3A_110, %convert_element_type3A_116 : vector<8x40xf32>
    %slice3A_118 = vector.extract_strided_slice %convert_element_type3A_88 {offsets = [0, 3], sizes = [1, 1], strides = [1, 1]} : vector<1x8xf32> to vector<1x1xf32>
    %add3A_119 = arith.addf %add3A_112, %slice3A_118 : vector<1x1xf32>
    %ge3A_120 = vector.broadcast %add3A_119 : vector<1x1xf32> to vector<8x40xf32>
    %ge3A_121 = arith.cmpf oge, %mul3A_93, %ge3A_120 : vector<8x40xf32>
    %convert_element_type3A_122 = arith.extui %ge3A_121 : vector<8x40xi1> to vector<8x40xi32>
    %convert_element_type3A_123 = arith.sitofp %convert_element_type3A_122 : vector<8x40xi32> to vector<8x40xf32>
    %add3A_124 = arith.addf %add3A_117, %convert_element_type3A_123 : vector<8x40xf32>
    %slice3A_125 = vector.extract_strided_slice %convert_element_type3A_88 {offsets = [0, 4], sizes = [1, 1], strides = [1, 1]} : vector<1x8xf32> to vector<1x1xf32>
    %add3A_126 = arith.addf %add3A_119, %slice3A_125 : vector<1x1xf32>
    %ge3A_127 = vector.broadcast %add3A_126 : vector<1x1xf32> to vector<8x40xf32>
    %ge3A_128 = arith.cmpf oge, %mul3A_93, %ge3A_127 : vector<8x40xf32>
    %convert_element_type3A_129 = arith.extui %ge3A_128 : vector<8x40xi1> to vector<8x40xi32>
    %convert_element_type3A_130 = arith.sitofp %convert_element_type3A_129 : vector<8x40xi32> to vector<8x40xf32>
    %add3A_131 = arith.addf %add3A_124, %convert_element_type3A_130 : vector<8x40xf32>
    %slice3A_132 = vector.extract_strided_slice %convert_element_type3A_88 {offsets = [0, 5], sizes = [1, 1], strides = [1, 1]} : vector<1x8xf32> to vector<1x1xf32>
    %add3A_133 = arith.addf %add3A_126, %slice3A_132 : vector<1x1xf32>
    %ge3A_134 = vector.broadcast %add3A_133 : vector<1x1xf32> to vector<8x40xf32>
    %ge3A_135 = arith.cmpf oge, %mul3A_93, %ge3A_134 : vector<8x40xf32>
    %convert_element_type3A_136 = arith.extui %ge3A_135 : vector<8x40xi1> to vector<8x40xi32>
    %convert_element_type3A_137 = arith.sitofp %convert_element_type3A_136 : vector<8x40xi32> to vector<8x40xf32>
    %add3A_138 = arith.addf %add3A_131, %convert_element_type3A_137 : vector<8x40xf32>
    %slice3A_139 = vector.extract_strided_slice %convert_element_type3A_88 {offsets = [0, 6], sizes = [1, 1], strides = [1, 1]} : vector<1x8xf32> to vector<1x1xf32>
    %add3A_140 = arith.addf %add3A_133, %slice3A_139 : vector<1x1xf32>
    %ge3A_141 = vector.broadcast %add3A_140 : vector<1x1xf32> to vector<8x40xf32>
    %ge3A_142 = arith.cmpf oge, %mul3A_93, %ge3A_141 : vector<8x40xf32>
    %convert_element_type3A_143 = arith.extui %ge3A_142 : vector<8x40xi1> to vector<8x40xi32>
    %convert_element_type3A_144 = arith.sitofp %convert_element_type3A_143 : vector<8x40xi32> to vector<8x40xf32>
    %add3A_145 = arith.addf %add3A_138, %convert_element_type3A_144 : vector<8x40xf32>
    %concatenate3A = tpu.concatenate %broadcast_in_dim3A_97, %add3A_99, %add3A_105, %add3A_112, %add3A_119, %add3A_126, %add3A_133, %add3A_140 in 0 : vector<1x1xf32>, vector<1x1xf32>, vector<1x1xf32>, vector<1x1xf32>, vector<1x1xf32>, vector<1x1xf32>, vector<1x1xf32>, vector<1x1xf32> -> vector<8x1xf32>
    %convert_element_type3A_146 = arith.fptosi %add3A_145 : vector<8x40xf32> to vector<8x40xi32>
    %swap3A_147 = arith.constant 0 : index
    %swap3A_148 = arith.constant 0 : index
    %swap3A_149 = vector.load %arg6[%swap3A_147, %swap3A_148] : memref<8x40xi32, #tpu.memory_space<vmem>>, vector<8x40xi32>
    tpu.vector_store %arg6[%swap3A_147, %swap3A_148], %convert_element_type3A_146 {strides = array<i32>} : memref<8x40xi32, #tpu.memory_space<vmem>>, vector<8x40xi32>,
    %mul3A_150 = arith.mulf %convert_element_type3A_41, %dot_general3A_52 : vector<2048x8xf32>
    %reduce_sum3A = arith.constant dense<0.000000e+00> : vector<2048xf32>
    %reduce_sum3A_151 = vector.multi_reduction <add>, %mul3A_150, %reduce_sum3A [1] : vector<2048x8xf32> to vector<2048xf32>
    %broadcast_in_dim3A_152 = vector.shape_cast %reduce_sum3A_151 : vector<2048xf32> to vector<2048x1xf32>
    %mul3A_153 = arith.mulf %convert_element_type3A_45, %dot_general3A_52 : vector<2048x8xf32>
    %reduce_sum3A_154 = arith.constant dense<0.000000e+00> : vector<2048xf32>
    %reduce_sum3A_155 = vector.multi_reduction <add>, %mul3A_153, %reduce_sum3A_154 [1] : vector<2048x8xf32> to vector<2048xf32>
    %broadcast_in_dim3A_156 = vector.shape_cast %reduce_sum3A_155 : vector<2048xf32> to vector<2048x1xf32>
    %mul3A_157 = arith.mulf %convert_element_type3A_45, %convert_element_type3A_41 : vector<2048x8xf32>
    %reduce_sum3A_158 = arith.constant dense<0.000000e+00> : vector<2048xf32>
    %reduce_sum3A_159 = vector.multi_reduction <add>, %mul3A_157, %reduce_sum3A_158 [1] : vector<2048x8xf32> to vector<2048xf32>
    %broadcast_in_dim3A_160 = vector.shape_cast %reduce_sum3A_159 : vector<2048xf32> to vector<2048x1xf32>
    %add3A_161 = arith.addf %broadcast_in_dim3A_156, %broadcast_in_dim3A_160 : vector<2048x1xf32>
    %dot_general3A_162 = arith.constant dense<0.000000e+00> : vector<2048x1xf32>
    %dot_general3A_163 = tpu.matmul %convert_element_type3A_41, %concatenate3A, %dot_general3A_162 {dimension_numbers = #tpu.dot_dimension_numbers<[1], [0], [0], [1], [0, 0, 1, 1], [], []>, transpose_lhs_hint = false} : vector<2048x8xf32>, vector<8x1xf32>, vector<2048x1xf32> -> vector<2048x1xf32>
    %dot_general3A_164 = arith.constant dense<0.000000e+00> : vector<2048x1xf32>
    %dot_general3A_165 = tpu.matmul %convert_element_type3A_45, %concatenate3A, %dot_general3A_164 {dimension_numbers = #tpu.dot_dimension_numbers<[1], [0], [0], [1], [0, 0, 1, 1], [], []>, transpose_lhs_hint = false} : vector<2048x8xf32>, vector<8x1xf32>, vector<2048x1xf32> -> vector<2048x1xf32>
    %add3A_166 = arith.addf %dot_general3A_163, %broadcast_in_dim3A_152 : vector<2048x1xf32>
    %convert_element_type3A_167 = arith.fptosi %add3A_166 : vector<2048x1xf32> to vector<2048x1xi32>
    %swap3A_168 = arith.constant 0 : index
    %swap3A_169 = arith.constant 0 : index
    %swap3A_170 = vector.load %arg2[%swap3A_168, %swap3A_169] : memref<2048x1xi32, #tpu.memory_space<vmem>>, vector<2048x1xi32>
    tpu.vector_store %arg2[%swap3A_168, %swap3A_169], %convert_element_type3A_167 {strides = array<i32>} : memref<2048x1xi32, #tpu.memory_space<vmem>>, vector<2048x1xi32>,
    %add3A_171 = arith.addf %dot_general3A_165, %add3A_161 : vector<2048x1xf32>
    %convert_element_type3A_172 = arith.fptosi %add3A_171 : vector<2048x1xf32> to vector<2048x1xi32>
    %swap3A_173 = arith.constant 0 : index
    %swap3A_174 = arith.constant 0 : index
    %swap3A_175 = vector.load %arg3[%swap3A_173, %swap3A_174] : memref<2048x1xi32, #tpu.memory_space<vmem>>, vector<2048x1xi32>
    tpu.vector_store %arg3[%swap3A_173, %swap3A_174], %convert_element_type3A_172 {strides = array<i32>} : memref<2048x1xi32, #tpu.memory_space<vmem>>, vector<2048x1xi32>,
    return
  }
}

module attributes {stable_mosaic.version = 14 : i64} {
  func.func @_gmm_kernel(%arg0: i32, %arg1: memref<40xi32, #tpu.memory_space<smem>>, %arg2: memref<128x768xf32, #tpu.memory_space<vmem>>, %arg3: memref<128x1xf32, #tpu.memory_space<vmem>>, %arg4: memref<1x768x768xf32, #tpu.memory_space<vmem>>, %arg5: memref<128x768xf32, #tpu.memory_space<vmem>>) attributes {dimension_semantics = [#tpu.dimension_semantics<arbitrary>], iteration_bounds = array<i64: 40>, scalar_prefetch = 1 : i64, scratch_operands = 0 : i64, tpu.core_type = #tpu.core_type<tc>, window_params = [{transform_indices = @transform_0, window_bounds = array<i64: 128, 768>}, {transform_indices = @transform_1, window_bounds = array<i64: 128, 1>}, {transform_indices = @transform_2, window_bounds = array<i64: 1, 768, 768>}, {transform_indices = @transform_3, window_bounds = array<i64: 128, 768>}]} {
    %get3A = arith.constant 0 : index
    %get3A_0 = arith.constant 0 : index
    %get3A_1 = vector.load %arg3[%get3A, %get3A_0] : memref<128x1xf32, #tpu.memory_space<vmem>>, vector<128x1xf32>
    %get3A_2 = arith.constant 0 : index
    %get3A_3 = arith.constant 0 : index
    %get3A_4 = vector.load %arg2[%get3A_2, %get3A_3] : memref<128x768xf32, #tpu.memory_space<vmem>>, vector<128x768xf32>
    %convert_element_type3A = arith.truncf %get3A_4 : vector<128x768xf32> to vector<128x768xbf16>
    %get3A_5 = arith.constant 0 : index
    %get3A_6 = arith.constant 0 : index
    %get3A_7 = arith.constant 0 : index
    %get3A_8 = vector.load %arg4[%get3A_5, %get3A_6, %get3A_7] : memref<1x768x768xf32, #tpu.memory_space<vmem>>, vector<1x768x768xf32>
    %get3A_9 = vector.shape_cast %get3A_8 : vector<1x768x768xf32> to vector<768x768xf32>
    %convert_element_type3A_10 = arith.truncf %get3A_9 : vector<768x768xf32> to vector<768x768xbf16>
    %dot_general3A = arith.constant dense<0.000000e+00> : vector<128x768xf32>
    %dot_general3A_11 = tpu.matmul %convert_element_type3A, %convert_element_type3A_10, %dot_general3A {dimension_numbers = #tpu.dot_dimension_numbers<[1], [0], [0], [1], [0, 0, 1, 1], [], []>, transpose_lhs_hint = false} : vector<128x768xbf16>, vector<768x768xbf16>, vector<128x768xf32> -> vector<128x768xf32>
    %mul3A = vector.broadcast %get3A_1 : vector<128x1xf32> to vector<128x768xf32>
    %mul3A_12 = arith.mulf %mul3A, %dot_general3A_11 : vector<128x768xf32>
    %swap3A = arith.constant 0 : index
    %swap3A_13 = arith.constant 0 : index
    %swap3A_14 = vector.load %arg5[%swap3A, %swap3A_13] : memref<128x768xf32, #tpu.memory_space<vmem>>, vector<128x768xf32>
    tpu.vector_store %arg5[%swap3A, %swap3A_13], %mul3A_12 {strides = array<i32>} : memref<128x768xf32, #tpu.memory_space<vmem>>, vector<128x768xf32>,
    return
  }
  func.func @transform_0(%arg0: i32, %arg1: memref<40xi32, #tpu.memory_space<smem>>) -> (i32, i32) {
    %c0_i32 = arith.constant 0 : i32
    %c0_i32_0 = arith.constant 0 : i32
    return %arg0, %c0_i32 : i32, i32
  }
  func.func @transform_1(%arg0: i32, %arg1: memref<40xi32, #tpu.memory_space<smem>>) -> (i32, i32) {
    %c0_i32 = arith.constant 0 : i32
    %c0_i32_0 = arith.constant 0 : i32
    return %arg0, %c0_i32 : i32, i32
  }
  func.func @transform_2(%arg0: i32, %arg1: memref<40xi32, #tpu.memory_space<smem>>) -> (i32, i32, i32) {
    %get3A = arith.index_cast %arg0 : i32 to index
    %get3A_0 = memref.load %arg1[%get3A] : memref<40xi32, #tpu.memory_space<smem>>
    %c0_i32 = arith.constant 0 : i32
    %c0_i32_1 = arith.constant 0 : i32
    %c0_i32_2 = arith.constant 0 : i32
    return %get3A_0, %c0_i32, %c0_i32_1 : i32, i32, i32
  }
  func.func @transform_3(%arg0: i32, %arg1: memref<40xi32, #tpu.memory_space<smem>>) -> (i32, i32) {
    %c0_i32 = arith.constant 0 : i32
    %c0_i32_0 = arith.constant 0 : i32
    return %arg0, %c0_i32 : i32, i32
  }
}

</mosaic_0001>

<sc_bundles>
// kernel: kernel.6.cloned.1.call-start
scs
__scs_entry_jumppad:
0x0: {  	(pc) =	sbr.rel $0x88, $3  }
0x1: {  	(tag) =	ssettag $0x0;
	lr =	simm.s32 $0x1  }
0x2: {  	[smem:$0x3F9E] =	sst lr;
	_ =	strace $0xD0000000  }
0x3: {  	_ = 	snop  }
0x4: {  	_ = 	snop  }
0x5: {  	_ = 	snop  }
0x6: {  	_ = 	snop  }
0x7: {  	_ = 	snop  }
__scs_overlays_trampoline_lowered:
0x8: {  	[smem:$0x3FAD] =	sst s0  }
0x9: {  	[smem:$0x3FAE] =	sst s1  }
0xa: {  	[smem:$0x3FAF] =	sst s2  }
0xb: {  	[smem:$0x3FB0] =	sst s3  }
0xc: {  	[smem:$0x3FB1] =	sst s4  }
0xd: {  	[smem:$0x3FB2] =	sst s5  }
0xe: {  	[smem:$0x3FB3] =	sst s6  }
0xf: {  	[smem:$0x3FB4] =	sst s7  }
0x10: {  	[smem:$0x3FB5] =	sst s8  }
0x11: {  	[smem:$0x3FB6] =	sst s9;
	s0 =	simm.s32 @!p0 $0x0  }
0x12: {  	s1 =	sld [smem:$0x3F9C];
	s0 =	simm.s32 @p0 $0x1  }
0x13: {  	[smem:$0x3FB7] =	sst s0;
	s0 =	simm.s32 @!p1 $0x0  }
0x14: {  	s2 =	sld [smem:$0x3F9B];
	s0 =	simm.s32 @p1 $0x1  }
0x15: {  	[smem:$0x3FB8] =	sst s0;
	s0 =	simm.s32 @!p2 $0x0  }
0x16: {  	s3 =	sld [smem:$0x3FDB];
	s0 =	simm.s32 @p2 $0x1  }
0x17: {  	s4 =	simm.s32 $0x1BF5;
	[smem:$0x3FBA] =	sst s0  }
0x18: {  	s0 =	sld [smem:$0x3F9D];
	_ =	swait.ge [sflag:s4], $0x0  }
0x19: {  	s7 =	sld [smem:$0x3F9E]  }
0x1a: {  	s8 =	sadd.s32 $0xFFFFE003, lr  }
0x1b: {  	s9 =	sadd.s32 $0xFFFFFEF7, lr;
	s5 =	simm.s32 $0xFFFFFFFF;
	p2 =	slt.u32 s8, $0xFFFFF086  }
0x1c: {  	p1 =	slt.u32 s9, $0xF7A;
	s5 =	simm.s32 @!p2 $0x0  }
0x1d: {  	s5 =	simm.s32 @p1 $0x1;
	p0 =	seq.s32 s7, s2  }
0x1e: {  	s7 =	smul.u32 @!p0 $0xF7A, s2;
	p2 =	seq.s32 @!p0 s5, $0x0  }
0x1f: {  	s9 =	smul.u32 $0xF7A, s1;
	s8 =	simm.s32 @!p0 $0x1BF5;
	p2 =	por !p2, p0  }
0x20: {  	[sflag:s8] =	ssyncset.s32 @!p0 $0xFFFFF086;
	s6 =	sadd.s32 @!p0 s3, s7;
	s7 =	simm.s32 @!p0 $0x108  }
0x21: {  	s3 =	sadd.s32 s3, s9;
	s6 =	sadd.s32 @!p0 $0x88, s6;
	s7 =	simm.s32 @p2 $0x1082  }
0x22: {  	[simem:s7], [sflag:s8] =	dma.local @!p0 [hbm:s6], $0xF7A  }
0x23: {  	s9 =	sor.u32 $0xD0000000, s2;
	s6 =	simm.s32 $0x108;
	_ =	swait.ge @!p0 [sflag:s8], $0x0  }
0x24: {  	s3 =	sadd.s32 $0x88, s3;
	s6 =	simm.s32 @!p1 $0x1082;
	[sflag:s4] =	ssyncset.s32 $0xFFFFF086  }
0x25: {  	[simem:s6], [sflag:s4] =	dma.local [hbm:s3], $0xF7A  }
0x26: {  	[smem:$0x3F9E] =	sst s1;
	(tag) =	ssettag s2;
	_ =	strace s9  }
0x27: {  	s1 =	sld [smem:$0x3FAE]  }
0x28: {  	s2 =	sld [smem:$0x3FAF]  }
0x29: {  	s4 =	sld [smem:$0x3FB1]  }
0x2a: {  	p0 =	seq.s32 s5, $0x0;
	s5 =	sld [smem:$0x3FB2]  }
0x2b: {  	s6 =	sld [smem:$0x3FB3]  }
0x2c: {  	s7 =	sld [smem:$0x3FB4]  }
0x2d: {  	s3 =	simm.s32 $0x108;
	s8 =	sld [smem:$0x3FB5]  }
0x2e: {  	s3 =	simm.s32 @!p0 $0x1082;
	s9 =	sld [smem:$0x3FB6]  }
0x2f: {  	lr =	sadd.s32 s0, s3;
	s0 =	sld [smem:$0x3FAD]  }
0x30: {  	s3 =	sld [smem:$0x3FB0]  }
0x31: {  	[smem:$0x3FB9] =	sst s10  }
0x32: {  	s10 =	sld [smem:$0x3FB7];
	_ =	sdelay $0x3  }
0x33: {  	p0 =	seq.s32 s10, $0x1;
	s10 =	sld [smem:$0x3FB9];
	_ =	sdelay $0x3  }
0x34: {  	[smem:$0x3FB9] =	sst s10  }
0x35: {  	s10 =	sld [smem:$0x3FB8];
	_ =	sdelay $0x3  }
0x36: {  	p1 =	seq.s32 s10, $0x1;
	s10 =	sld [smem:$0x3FB9];
	_ =	sdelay $0x3  }
0x37: {  	[smem:$0x3FB9] =	sst s10  }
0x38: {  	s10 =	sld [smem:$0x3FBA]  }
0x39: {  	_ = 	snop;
	(pc) =	sbr.ind lr, $3  }
0x3a: {  	_ = 	snop  }
0x3b: {  	_ = 	snop  }
0x3c: {  	p2 =	seq.s32 s10, $0x1;
	s10 =	sld [smem:$0x3FB9]  }
0x3d: {  	_ =	shalt  }
0x3e: {  	_ =	shalt  }
0x3f: {  	_ =	shalt  }
0x40: {  	_ =	shalt  }
0x41: {  	_ =	shalt  }
0x42: {  	_ =	shalt  }
0x43: {  	_ =	shalt  }
0x44: {  	_ =	shalt  }
0x45: {  	_ =	shalt  }
0x46: {  	_ =	shalt  }
0x47: {  	_ =	shalt  }
0x48: {  	_ =	shalt  }
0x49: {  	_ =	shalt  }
0x4a: {  	_ =	shalt  }
0x4b: {  	_ =	shalt  }
0x4c: {  	_ =	shalt  }
0x4d: {  	_ =	shalt  }
0x4e: {  	_ =	shalt  }
0x4f: {  	_ =	shalt  }
0x50: {  	_ =	shalt  }
0x51: {  	_ =	shalt  }
0x52: {  	_ =	shalt  }
0x53: {  	_ =	shalt  }
0x54: {  	_ =	shalt  }
0x55: {  	_ =	shalt  }
0x56: {  	_ =	shalt  }
0x57: {  	_ =	shalt  }
0x58: {  	_ =	shalt  }
0x59: {  	_ =	shalt  }
0x5a: {  	_ =	shalt  }
0x5b: {  	_ =	shalt  }
0x5c: {  	_ =	shalt  }
0x5d: {  	_ =	shalt  }
0x5e: {  	_ =	shalt  }
0x5f: {  	_ =	shalt  }
0x60: {  	_ =	shalt  }
0x61: {  	_ =	shalt  }
0x62: {  	_ =	shalt  }
0x63: {  	_ =	shalt  }
0x64: {  	_ =	shalt  }
0x65: {  	_ =	shalt  }
0x66: {  	_ =	shalt  }
0x67: {  	_ =	shalt  }
0x68: {  	_ =	shalt  }
0x69: {  	_ =	shalt  }
0x6a: {  	_ =	shalt  }
0x6b: {  	_ =	shalt  }
0x6c: {  	_ =	shalt  }
0x6d: {  	_ =	shalt  }
0x6e: {  	_ =	shalt  }
0x6f: {  	_ =	shalt  }
0x70: {  	_ =	shalt  }
0x71: {  	_ =	shalt  }
0x72: {  	_ =	shalt  }
0x73: {  	_ =	shalt  }
0x74: {  	_ =	shalt  }
0x75: {  	_ =	shalt  }
0x76: {  	_ =	shalt  }
0x77: {  	_ =	shalt  }
0x78: {  	_ =	shalt  }
0x79: {  	_ =	shalt  }
0x7a: {  	_ =	shalt  }
0x7b: {  	_ =	shalt  }
0x7c: {  	_ =	shalt  }
0x7d: {  	_ =	shalt  }
0x7e: {  	_ =	shalt  }
0x7f: {  	_ =	shalt  }
0x80: {  	_ =	shalt  }
0x81: {  	_ =	shalt  }
0x82: {  	_ =	shalt  }
0x83: {  	_ =	shalt  }
0x84: {  	_ =	shalt  }
0x85: {  	_ =	shalt  }
0x86: {  	_ =	shalt  }
0x87: {  	_ =	shalt  }
.Lfunc_end0:
.L_simem_size_0:
called_computation_lowered:
.L_overlay_start_0:
0x88: {  	s2 =	sld [smem:$0x3FD9]  }
0x89: {  	s3 =	sld [smem:$0x3FFE];
	_ =	sdelay $0x1  }
0x8a: {  	s1 =	srdreg.scid  }
0x8b: {  	s0 =	sand.u32 $0x1, s1  }
0x8c: {  	s17 =	sshll.u32 s0, $0xA;
	s2 =	sadd.s32 s3, s2  }
0x8d: {  	s2 =	sadd.s32 s2, s17  }
0x8e: {  	[smem:$0x3FC5] =	sst s2  }
0x8f: {  	_ = 	snop  }
0x90: {  	s2 =	sld [smem:$0x3FC9]  }
0x91: {  	s18 =	sld [smem:$0x3FD0];
	(tm) =	ssettm $0x1  }
0x92: {  	s4 =	sld [smem:$0x3FFB];
	_ =	sdelay $0x3  }
0x93: {  	_ =	strace s4  }
0x94: {  	s4 =	sld [smem:$0x3FFC];
	_ =	sdelay $0x3  }
0x95: {  	_ =	strace s4  }
0x96: {  	s4 =	sld [smem:$0x3FFD];
	_ =	sdelay $0x3  }
0x97: {  	_ =	strace s4  }
0x98: {  	_ =	strace $0x8FFFFFFF  }
0x99: {  	s19 =	sld [smem:$0x3FDB];
	_ =	sdelay $0x1  }
0x9a: {  	s5 =	simm.s32 $_scs_section_size  }
0x9b: {  	s6 =	simm.s32 $_size__tile_overlayer_lowered;
	s7 =	simm.s32 $_tile_overlayer_lowered  }
0x9c: {  	s22 =	simm.s32 $0x1BFF;
	s21 =	sshll.u32 s7, $0x1;
	s4 =	sadd.s32 s5, s19  }
0x9d: {  	s8 =	simm.s32 $0x0;
	s20 =	sshll.u32 s6, $0x1;
	s6 =	sadd.s32 s21, s4  }
0x9e: {  	[timem:s8], [sflag:s22] =	dma.local [hbm:s6], s20  }
0x9f: {  	_ =	swait.ge [sflag:s22], s20  }
0xa0: {  	s5 =	ssub.s32 $0x0, s20;
	[sflag:s22] =	ssyncset.done $0x0  }
0xa1: {  	[sflag:s22] =	ssyncadd.s32 s5;
	_ =	sdelay $0x1  }
0xa2: {  	s23 =	simm.s32 $0x1B8B  }
0xa3: {  	_ =	swait.ge [sflag:s23], $0x1  }
0xa4: {  	[sflag:s23] =	ssyncset.done $0x0  }
0xa5: {  	s25 =	simm.s32 $0x1B8E;
	s24 =	sld [smem:$0x3FFE];
	[sflag:s23] =	ssyncadd.s32 $0xFFFFFFFF  }
0xa6: {  	s26 =	simm.s32 $execute0_lowered;
	[smem:$0x3FD2] =	sst s25  }
0xa7: {  	s6 =	sshll.u32 s26, $0x1;
	_ =	strace $0x80000046;
	[dreg:$0x1] =	wrdreg $0xFFFFFFFF  }
0xa8: {  	s28 =	simm.s32 $_size_execute0_lowered;
	s4 =	sadd.s32 s4, s6;
	[dreg:$0x0] =	wrdreg $0x0  }
0xa9: {  	s6 =	sshll.u32 s28, $0x1;
	[dreg:$0x2] =	wrdreg s4  }
0xaa: {  	[dreg:$0x3] =	wrdreg s6  }
0xab: {  	[dreg:$0x4] =	wrdreg $0xC0  }
0xac: {  	_ =	task [dreg:s8], $0x5FFFF  }
0xad: {  	[dreg:$0x1] =	wrdreg $0xFFFFFFFF  }
0xae: {  	[dreg:$0x0] =	wrdreg $0x60  }
0xaf: {  	[dreg:$0x2] =	wrdreg s2  }
0xb0: {  	[dreg:$0x3] =	wrdreg s24  }
0xb1: {  	[dreg:$0x4] =	wrdreg s18  }
0xb2: {  	[dreg:$0x5] =	wrdreg $0x9  }
0xb3: {  	_ =	task.clear_ibuf [dreg:s8], $0x6FFFF;
	_ =	strace $0x90000046  }
0xb4: {  	s29 =	simm.s32 $0x9;
	_ =	strace $0x80000048  }
0xb5: {  	_ =	swait.ge [sflag:s29], $0x1  }
0xb6: {  	[sflag:s29] =	ssyncadd.s32 $0xFFFFFFFF  }
0xb7: {  	_ =	strace $0x90000048  }
0xb8: {  	_ =	sfence  }
0xb9: {  	s30 =	sld [smem:$0x0];
	_ =	sdelay $0x2  }
0xba: {  	s31 =	sshll.u32 s1, $0xD;
	s1 =	sshrl.u32 s1, $0x2  }
0xbb: {  	s3 =	sand.u32 $0x4000, s31;
	s1 =	sadd.s32 s1, s30  }
0xbc: {  	s0 =	sor.u32 s3, s0;
	s1 =	sshll.u32 s1, $0x11  }
0xbd: {  	s0 =	sor.u32 s1, s0  }
0xbe: {  	s0 =	sadd.s32 $0x8F2B, s0  }
0xbf: {  	[sflag:s0] =	ssyncadd.remote.s32 $0x1  }
0xc0: {  	_ =	sfence.sel $0xFFFF  }
0xc1: {  	[dreg:$0x0] =	wrdreg $0xFFFFFFFF;
	(pc) =	sbr.abs _section_cstart, $3  }
0xc2: {  	[dreg:$0x1] =	wrdreg $0xFFFFFFFF  }
0xc3: {  	_ =	task.clear_ibuf [dreg:s8], $0x2FFFF;
	_ =	strace $0x9FFFFFFF  }
0xc4: {  	(tm) =	ssettm $0x7FFFFFFF  }
0xc5: {  	_ =	shalt  }
tec
execute0_lowered:
.L_overlay_start_1:
0x0: {  	(tag) =	ssettag $0x1  }
0x1: {  	s0 =	srdreg.scid;
	s1 =	rddreg [dreg:$0x0]  }
0x2: {  	s3 =	stileid.u32;
	s2 =	rddreg [dreg:$0x1];
	s9 =	simm.s32 $0x2  }
0x3: {  	s13 =	simm.s32 $0x1;
	s18 =	simm.s32 $0xC180;
	s19 =	simm.s32 $0x1000  }
0x4: {  	s20 =	simm.s32 $0x1800;
	s21 =	simm.s32 $0x2000;
	s22 =	simm.s32 $0x2800  }
0x5: {  	s23 =	simm.s32 $0x3000;
	s28 =	simm.s32 $0x5000;
	s29 =	simm.s32 $0x5800  }
0x6: {  	s30 =	simm.s32 $0x6000;
	s31 =	simm.s32 $0x6800;
	s10 =	simm.s32 $0x8800  }
0x7: {  	s11 =	simm.s32 $0x9000;
	s12 =	simm.s32 $0x9800;
	s14 =	simm.s32 $0xA000  }
0x8: {  	s16 =	simm.s32 $0xB000;
	s17 =	simm.s32 $0xB800;
	s0 =	sand.u32 $0x1, s0  }
0x9: {  	s3 =	sshll.u32 s3, $0x4;
	s7 =	sadd.s32 $0xA00, s2;
	s4 =	sshll.u32 s0, $0x3  }
0xa: {  	s0 =	ssub.s32 $0x2, s0;
	s4 =	sor.u32 s4, s3;
	s3 =	simm.s32 $0x0  }
0xb: {  	s6 =	sshrl.u32 s0, $0x1;
	s5 =	smul.u32 $0x300, s4;
	[smem:$0x7FF] =	sst s3  }
0xc: {  	s4 =	sadd.s32 s2, s4;
	s0 =	ssub.s32 s0, s6;
	s6 =	sadd.s32 $0x900, s2  }
0xd: {  	_ =	strace $0x80000047;
	s24 =	sadd.s32 $0x200, s4;
	[dreg:$0x8] =	wrdreg s4  }
0xe: {  	s25 =	sadd.s32 $0x400, s4;
	s26 =	sadd.s32 $0x600, s4;
	[dreg:$0x5] =	wrdreg s24  }
0xf: {  	v2 =	vlaneseq.u32;
	s8 =	smax.u32 s0, $0x1;
	s1 =	sadd.s32 s1, s5;
	[dreg:$0x6] =	wrdreg s25  }
0x10: {  	vm0 =	vmmov $0xffff;
	v1 =	vshrl.u32 v2, $0x3;
	s5 =	sadd.s32 $0x800, s2;
	[dreg:$0x7] =	wrdreg s26;
	s24 =	simm.s32 $0x3800  }
0x11: {  	v0 =	vand.u32 $0x7, v2;
	v2 =	vor.u32 $0x8, v2;
	v1 =	vmul.u32 $0x8, v1;
	s25 =	simm.s32 $0x4000;
	s26 =	simm.s32 $0x4800;
	[dreg:$0x4] =	wrdreg s1  }
.LBB2_1:
0x12: {  	s15 =	rddreg [dreg:$0x4]  }
0x13: {  	[tilespmem:s3], [sflag:$0x2] =	stream.linear.gather [hbm4b:s15+s3], $0xC000, $0x38;
	[tilespmem:$0xC200] =	vst v63  }
0x14: {  	_ =	swait.ge [sflag:s9], $0xC000  }
0x15: {  	[sflag:s9] =	ssyncset.done $0x0  }
0x16: {  	s0 =	simm.s32 $0xC000;
	s4 =	rddreg [dreg:$0x8];
	[sflag:s9] =	ssyncadd.s32 $0xFFFF4000  }
0x17: {  	[tilespmem:s0], [sflag:$0x2] =	stream.linear.gather [hbm4b:s4+s3], $0x40, $0x38;
	[tilespmem:$0xC200] =	vst v63  }
0x18: {  	_ =	swait.ge [sflag:s9], $0x40  }
0x19: {  	[sflag:s9] =	ssyncset.done $0x0  }
0x1a: {  	s1 =	simm.s32 $0xC080;
	s0 =	rddreg [dreg:$0x5];
	[sflag:s9] =	ssyncadd.s32 $0xFFFFFFC0  }
0x1b: {  	[tilespmem:s1], [sflag:$0x2] =	stream.linear.gather [hbm4b:s0+s3], $0x40, $0x38;
	[tilespmem:$0xC200] =	vst v63  }
0x1c: {  	_ =	swait.ge [sflag:s9], $0x40  }
0x1d: {  	[sflag:s9] =	ssyncset.done $0x0  }
0x1e: {  	s4 =	simm.s32 $0xC100;
	s2 =	rddreg [dreg:$0x6];
	[sflag:s9] =	ssyncadd.s32 $0xFFFFFFC0  }
0x1f: {  	[tilespmem:s4], [sflag:$0x2] =	stream.linear.gather [hbm4b:s2+s3], $0x40, $0x38;
	[tilespmem:$0xC200] =	vst v63  }
0x20: {  	_ =	swait.ge [sflag:s9], $0x40  }
0x21: {  	[sflag:s9] =	ssyncset.done $0x0  }
0x22: {  	s1 =	rddreg [dreg:$0x7];
	[sflag:s9] =	ssyncadd.s32 $0xFFFFFFC0  }
0x23: {  	[tilespmem:s18], [sflag:$0x2] =	stream.linear.gather [hbm4b:s1+s3], $0x40, $0x38;
	[tilespmem:$0xC200] =	vst v63  }
0x24: {  	_ =	swait.ge [sflag:s9], $0x40  }
0x25: {  	[sflag:s9] =	ssyncset.done $0x0  }
0x26: {  	[sflag:s9] =	ssyncadd.s32 $0xFFFFFFC0  }
0x27: {  	v3 =	vld [tilespmem:$0xC000];
	_ =	sdelay $0x4  }
0x28: {  	v4 =	vshrl.u32 v3, $0x3  }
0x29: {  	v4 =	vmul.u32 $0x30, v4  }
0x2a: {  	v3 =	vand.u32 $0x7, v3  }
0x2b: {  	v3 =	vor.u32 v3, v4  }
0x2c: {  	v4 =	vperm.xlane v3, v0;
	_ =	sdelay $0x1  }
0x2d: {  	v4 =	vadd.s32 v1, v4;
	_ =	sdelay $0x3  }
0x2e: {  	v3 =	vperm.xlane v3, v2  }
0x2f: {  	[hbm4b:s5+s3] =	stream.indirect_vreg.scatter [tilespmem:s3], [sflag:$0x1], $0x80, v4, vm0, $0xb8;
	[tilespmem:$0xC200] =	vst v63  }
0x30: {  	s15 =	simm.s32 $0x800;
	v3 =	vadd.s32 v1, v3  }
0x31: {  	[hbm4b:s6+s3] =	stream.indirect_vreg.scatter [tilespmem:s15], [sflag:$0x1], $0x80, v4, vm0, $0xb8;
	[tilespmem:$0xC200] =	vst v63  }
0x32: {  	_ = 	snop  }
0x33: {  	[hbm4b:s7+s3] =	stream.indirect_vreg.scatter [tilespmem:s19], [sflag:$0x1], $0x80, v4, vm0, $0xb8;
	[tilespmem:$0xC200] =	vst v63  }
0x34: {  	_ = 	snop  }
0x35: {  	[hbm4b:s5+s3] =	stream.indirect_vreg.scatter [tilespmem:s20], [sflag:$0x1], $0x80, v3, vm0, $0xb8;
	[tilespmem:$0xC200] =	vst v63  }
0x36: {  	_ = 	snop  }
0x37: {  	[hbm4b:s6+s3] =	stream.indirect_vreg.scatter [tilespmem:s21], [sflag:$0x1], $0x80, v3, vm0, $0xb8;
	[tilespmem:$0xC200] =	vst v63  }
0x38: {  	_ = 	snop  }
0x39: {  	[hbm4b:s7+s3] =	stream.indirect_vreg.scatter [tilespmem:s22], [sflag:$0x1], $0x80, v3, vm0, $0xb8;
	[tilespmem:$0xC200] =	vst v63  }
0x3a: {  	v3 =	vld [tilespmem:$0xC010];
	_ =	sdelay $0x4  }
0x3b: {  	v57 =	vshrl.u32 v3, $0x3  }
0x3c: {  	v4 =	vmul.u32 $0x30, v57  }
0x3d: {  	v3 =	vand.u32 $0x7, v3  }
0x3e: {  	v3 =	vor.u32 v3, v4  }
0x3f: {  	v4 =	vperm.xlane v3, v0;
	_ =	sdelay $0x1  }
0x40: {  	v4 =	vadd.s32 v1, v4;
	_ =	sdelay $0x3  }
0x41: {  	v3 =	vperm.xlane v3, v2  }
0x42: {  	[hbm4b:s5+s3] =	stream.indirect_vreg.scatter [tilespmem:s23], [sflag:$0x1], $0x80, v4, vm0, $0xb8;
	[tilespmem:$0xC200] =	vst v63  }
0x43: {  	v3 =	vadd.s32 v1, v3  }
0x44: {  	[hbm4b:s6+s3] =	stream.indirect_vreg.scatter [tilespmem:s24], [sflag:$0x1], $0x80, v4, vm0, $0xb8;
	[tilespmem:$0xC200] =	vst v63  }
0x45: {  	_ = 	snop  }
0x46: {  	[hbm4b:s7+s3] =	stream.indirect_vreg.scatter [tilespmem:s25], [sflag:$0x1], $0x80, v4, vm0, $0xb8;
	[tilespmem:$0xC200] =	vst v63  }
0x47: {  	_ = 	snop  }
0x48: {  	[hbm4b:s5+s3] =	stream.indirect_vreg.scatter [tilespmem:s26], [sflag:$0x1], $0x80, v3, vm0, $0xb8;
	[tilespmem:$0xC200] =	vst v63  }
0x49: {  	_ = 	snop  }
0x4a: {  	[hbm4b:s6+s3] =	stream.indirect_vreg.scatter [tilespmem:s28], [sflag:$0x1], $0x80, v3, vm0, $0xb8;
	[tilespmem:$0xC200] =	vst v63  }
0x4b: {  	_ = 	snop  }
0x4c: {  	[hbm4b:s7+s3] =	stream.indirect_vreg.scatter [tilespmem:s29], [sflag:$0x1], $0x80, v3, vm0, $0xb8;
	[tilespmem:$0xC200] =	vst v63  }
0x4d: {  	v3 =	vld [tilespmem:$0xC020];
	_ =	sdelay $0x4  }
0x4e: {  	v58 =	vshrl.u32 v3, $0x3  }
0x4f: {  	v4 =	vmul.u32 $0x30, v58  }
0x50: {  	v3 =	vand.u32 $0x7, v3  }
0x51: {  	v3 =	vor.u32 v3, v4  }
0x52: {  	v4 =	vperm.xlane v3, v0;
	_ =	sdelay $0x1  }
0x53: {  	v4 =	vadd.s32 v1, v4;
	_ =	sdelay $0x3  }
0x54: {  	v3 =	vperm.xlane v3, v2  }
0x55: {  	[hbm4b:s5+s3] =	stream.indirect_vreg.scatter [tilespmem:s30], [sflag:$0x1], $0x80, v4, vm0, $0xb8;
	[tilespmem:$0xC200] =	vst v63  }
0x56: {  	v3 =	vadd.s32 v1, v3  }
0x57: {  	[hbm4b:s6+s3] =	stream.indirect_vreg.scatter [tilespmem:s31], [sflag:$0x1], $0x80, v4, vm0, $0xb8;
	[tilespmem:$0xC200] =	vst v63  }
0x58: {  	s1 =	simm.s32 $0x7000  }
0x59: {  	[hbm4b:s7+s3] =	stream.indirect_vreg.scatter [tilespmem:s1], [sflag:$0x1], $0x80, v4, vm0, $0xb8;
	[tilespmem:$0xC200] =	vst v63  }
0x5a: {  	s0 =	simm.s32 $0x7800  }
0x5b: {  	[hbm4b:s5+s3] =	stream.indirect_vreg.scatter [tilespmem:s0], [sflag:$0x1], $0x80, v3, vm0, $0xb8;
	[tilespmem:$0xC200] =	vst v63  }
0x5c: {  	s2 =	simm.s32 $0x8000  }
0x5d: {  	[hbm4b:s6+s3] =	stream.indirect_vreg.scatter [tilespmem:s2], [sflag:$0x1], $0x80, v3, vm0, $0xb8;
	[tilespmem:$0xC200] =	vst v63  }
0x5e: {  	_ = 	snop  }
0x5f: {  	[hbm4b:s7+s3] =	stream.indirect_vreg.scatter [tilespmem:s10], [sflag:$0x1], $0x80, v3, vm0, $0xb8;
	[tilespmem:$0xC200] =	vst v63  }
0x60: {  	v3 =	vld [tilespmem:$0xC030];
	_ =	sdelay $0x4  }
0x61: {  	v59 =	vshrl.u32 v3, $0x3  }
0x62: {  	v4 =	vmul.u32 $0x30, v59  }
0x63: {  	v3 =	vand.u32 $0x7, v3  }
0x64: {  	v3 =	vor.u32 v3, v4  }
0x65: {  	v4 =	vperm.xlane v3, v0;
	_ =	sdelay $0x1  }
0x66: {  	v4 =	vadd.s32 v1, v4;
	_ =	sdelay $0x3  }
0x67: {  	v3 =	vperm.xlane v3, v2  }
0x68: {  	[hbm4b:s5+s3] =	stream.indirect_vreg.scatter [tilespmem:s11], [sflag:$0x1], $0x80, v4, vm0, $0xb8;
	[tilespmem:$0xC200] =	vst v63  }
0x69: {  	v3 =	vadd.s32 v1, v3  }
0x6a: {  	[hbm4b:s6+s3] =	stream.indirect_vreg.scatter [tilespmem:s12], [sflag:$0x1], $0x80, v4, vm0, $0xb8;
	[tilespmem:$0xC200] =	vst v63  }
0x6b: {  	_ = 	snop  }
0x6c: {  	[hbm4b:s7+s3] =	stream.indirect_vreg.scatter [tilespmem:s14], [sflag:$0x1], $0x80, v4, vm0, $0xb8;
	[tilespmem:$0xC200] =	vst v63  }
0x6d: {  	s4 =	simm.s32 $0xA800  }
0x6e: {  	[hbm4b:s5+s3] =	stream.indirect_vreg.scatter [tilespmem:s4], [sflag:$0x1], $0x80, v3, vm0, $0xb8;
	[tilespmem:$0xC200] =	vst v63  }
0x6f: {  	_ = 	snop  }
0x70: {  	[hbm4b:s6+s3] =	stream.indirect_vreg.scatter [tilespmem:s16], [sflag:$0x1], $0x80, v3, vm0, $0xb8;
	[tilespmem:$0xC200] =	vst v63  }
0x71: {  	_ = 	snop  }
0x72: {  	[hbm4b:s7+s3] =	stream.indirect_vreg.scatter [tilespmem:s17], [sflag:$0x1], $0x80, v3, vm0, $0xb8;
	[tilespmem:$0xC200] =	vst v63  }
0x73: {  	_ =	swait.ge [sflag:s13], $0xC000  }
0x74: {  	[sflag:s13] =	ssyncset.done $0x0  }
0x75: {  	[sflag:s13] =	ssyncadd.s32 $0xFFFF4000  }
0x76: {  	v3 =	vld [tilespmem:$0xC080];
	_ =	sdelay $0x4  }
0x77: {  	v60 =	vshrl.u32 v3, $0x3  }
0x78: {  	v4 =	vmul.u32 $0x30, v60  }
0x79: {  	v3 =	vand.u32 $0x7, v3  }
0x7a: {  	v3 =	vor.u32 v3, v4  }
0x7b: {  	v4 =	vperm.xlane v3, v0;
	_ =	sdelay $0x1  }
0x7c: {  	v4 =	vadd.s32 v1, v4;
	_ =	sdelay $0x3  }
0x7d: {  	v3 =	vperm.xlane v3, v2  }
0x7e: {  	[hbm4b:s5+s3] =	stream.indirect_vreg.scatter [tilespmem:s3], [sflag:$0x1], $0x80, v4, vm0, $0xb8;
	[tilespmem:$0xC200] =	vst v63  }
0x7f: {  	v3 =	vadd.s32 v1, v3  }
0x80: {  	[hbm4b:s6+s3] =	stream.indirect_vreg.scatter [tilespmem:s15], [sflag:$0x1], $0x80, v4, vm0, $0xb8;
	[tilespmem:$0xC200] =	vst v63  }
0x81: {  	_ = 	snop  }
0x82: {  	[hbm4b:s7+s3] =	stream.indirect_vreg.scatter [tilespmem:s19], [sflag:$0x1], $0x80, v4, vm0, $0xb8;
	[tilespmem:$0xC200] =	vst v63  }
0x83: {  	_ = 	snop  }
0x84: {  	[hbm4b:s5+s3] =	stream.indirect_vreg.scatter [tilespmem:s20], [sflag:$0x1], $0x80, v3, vm0, $0xb8;
	[tilespmem:$0xC200] =	vst v63  }
0x85: {  	_ = 	snop  }
0x86: {  	[hbm4b:s6+s3] =	stream.indirect_vreg.scatter [tilespmem:s21], [sflag:$0x1], $0x80, v3, vm0, $0xb8;
	[tilespmem:$0xC200] =	vst v63  }
0x87: {  	_ = 	snop  }
0x88: {  	[hbm4b:s7+s3] =	stream.indirect_vreg.scatter [tilespmem:s22], [sflag:$0x1], $0x80, v3, vm0, $0xb8;
	[tilespmem:$0xC200] =	vst v63  }
0x89: {  	v3 =	vld [tilespmem:$0xC090];
	_ =	sdelay $0x4  }
0x8a: {  	v61 =	vshrl.u32 v3, $0x3  }
0x8b: {  	v4 =	vmul.u32 $0x30, v61  }
0x8c: {  	v3 =	vand.u32 $0x7, v3  }
0x8d: {  	v3 =	vor.u32 v3, v4  }
0x8e: {  	v4 =	vperm.xlane v3, v0;
	_ =	sdelay $0x1  }
0x8f: {  	v4 =	vadd.s32 v1, v4;
	_ =	sdelay $0x3  }
0x90: {  	v3 =	vperm.xlane v3, v2  }
0x91: {  	[hbm4b:s5+s3] =	stream.indirect_vreg.scatter [tilespmem:s23], [sflag:$0x1], $0x80, v4, vm0, $0xb8;
	[tilespmem:$0xC200] =	vst v63  }
0x92: {  	v3 =	vadd.s32 v1, v3  }
0x93: {  	[hbm4b:s6+s3] =	stream.indirect_vreg.scatter [tilespmem:s24], [sflag:$0x1], $0x80, v4, vm0, $0xb8;
	[tilespmem:$0xC200] =	vst v63  }
0x94: {  	_ = 	snop  }
0x95: {  	[hbm4b:s7+s3] =	stream.indirect_vreg.scatter [tilespmem:s25], [sflag:$0x1], $0x80, v4, vm0, $0xb8;
	[tilespmem:$0xC200] =	vst v63  }
0x96: {  	_ = 	snop  }
0x97: {  	[hbm4b:s5+s3] =	stream.indirect_vreg.scatter [tilespmem:s26], [sflag:$0x1], $0x80, v3, vm0, $0xb8;
	[tilespmem:$0xC200] =	vst v63  }
0x98: {  	_ = 	snop  }
0x99: {  	[hbm4b:s6+s3] =	stream.indirect_vreg.scatter [tilespmem:s28], [sflag:$0x1], $0x80, v3, vm0, $0xb8;
	[tilespmem:$0xC200] =	vst v63  }
0x9a: {  	_ = 	snop  }
0x9b: {  	[hbm4b:s7+s3] =	stream.indirect_vreg.scatter [tilespmem:s29], [sflag:$0x1], $0x80, v3, vm0, $0xb8;
	[tilespmem:$0xC200] =	vst v63  }
0x9c: {  	v3 =	vld [tilespmem:$0xC0A0];
	_ =	sdelay $0x4  }
0x9d: {  	v62 =	vshrl.u32 v3, $0x3  }
0x9e: {  	v4 =	vmul.u32 $0x30, v62  }
0x9f: {  	v3 =	vand.u32 $0x7, v3  }
0xa0: {  	v3 =	vor.u32 v3, v4  }
0xa1: {  	v4 =	vperm.xlane v3, v0;
	_ =	sdelay $0x1  }
0xa2: {  	v4 =	vadd.s32 v1, v4;
	_ =	sdelay $0x3  }
0xa3: {  	v3 =	vperm.xlane v3, v2  }
0xa4: {  	[hbm4b:s5+s3] =	stream.indirect_vreg.scatter [tilespmem:s30], [sflag:$0x1], $0x80, v4, vm0, $0xb8;
	[tilespmem:$0xC200] =	vst v63  }
0xa5: {  	v3 =	vadd.s32 v1, v3  }
0xa6: {  	[hbm4b:s6+s3] =	stream.indirect_vreg.scatter [tilespmem:s31], [sflag:$0x1], $0x80, v4, vm0, $0xb8;
	[tilespmem:$0xC200] =	vst v63  }
0xa7: {  	_ = 	snop  }
0xa8: {  	[hbm4b:s7+s3] =	stream.indirect_vreg.scatter [tilespmem:s1], [sflag:$0x1], $0x80, v4, vm0, $0xb8;
	[tilespmem:$0xC200] =	vst v63  }
0xa9: {  	_ = 	snop  }
0xaa: {  	[hbm4b:s5+s3] =	stream.indirect_vreg.scatter [tilespmem:s0], [sflag:$0x1], $0x80, v3, vm0, $0xb8;
	[tilespmem:$0xC200] =	vst v63  }
0xab: {  	_ = 	snop  }
0xac: {  	[hbm4b:s6+s3] =	stream.indirect_vreg.scatter [tilespmem:s2], [sflag:$0x1], $0x80, v3, vm0, $0xb8;
	[tilespmem:$0xC200] =	vst v63  }
0xad: {  	_ = 	snop  }
0xae: {  	[hbm4b:s7+s3] =	stream.indirect_vreg.scatter [tilespmem:s10], [sflag:$0x1], $0x80, v3, vm0, $0xb8;
	[tilespmem:$0xC200] =	vst v63  }
0xaf: {  	v3 =	vld [tilespmem:$0xC0B0];
	_ =	sdelay $0x4  }
0xb0: {  	v63 =	vshrl.u32 v3, $0x3  }
0xb1: {  	v4 =	vmul.u32 $0x30, v63  }
0xb2: {  	v3 =	vand.u32 $0x7, v3  }
0xb3: {  	v3 =	vor.u32 v3, v4  }
0xb4: {  	v4 =	vperm.xlane v3, v0;
	_ =	sdelay $0x1  }
0xb5: {  	v4 =	vadd.s32 v1, v4;
	_ =	sdelay $0x3  }
0xb6: {  	v3 =	vperm.xlane v3, v2  }
0xb7: {  	[hbm4b:s5+s3] =	stream.indirect_vreg.scatter [tilespmem:s11], [sflag:$0x1], $0x80, v4, vm0, $0xb8;
	[tilespmem:$0xC200] =	vst v63  }
0xb8: {  	v3 =	vadd.s32 v1, v3  }
0xb9: {  	[hbm4b:s6+s3] =	stream.indirect_vreg.scatter [tilespmem:s12], [sflag:$0x1], $0x80, v4, vm0, $0xb8;
	[tilespmem:$0xC200] =	vst v63  }
0xba: {  	_ = 	snop  }
0xbb: {  	[hbm4b:s7+s3] =	stream.indirect_vreg.scatter [tilespmem:s14], [sflag:$0x1], $0x80, v4, vm0, $0xb8;
	[tilespmem:$0xC200] =	vst v63  }
0xbc: {  	_ = 	snop  }
0xbd: {  	[hbm4b:s5+s3] =	stream.indirect_vreg.scatter [tilespmem:s4], [sflag:$0x1], $0x80, v3, vm0, $0xb8;
	[tilespmem:$0xC200] =	vst v63  }
0xbe: {  	_ = 	snop  }
0xbf: {  	[hbm4b:s6+s3] =	stream.indirect_vreg.scatter [tilespmem:s16], [sflag:$0x1], $0x80, v3, vm0, $0xb8;
	[tilespmem:$0xC200] =	vst v63  }
0xc0: {  	_ = 	snop  }
0xc1: {  	[hbm4b:s7+s3] =	stream.indirect_vreg.scatter [tilespmem:s17], [sflag:$0x1], $0x80, v3, vm0, $0xb8;
	[tilespmem:$0xC200] =	vst v63  }
0xc2: {  	_ =	swait.ge [sflag:s13], $0xC000  }
0xc3: {  	[sflag:s13] =	ssyncset.done $0x0  }
0xc4: {  	s0 =	simm.s32 $0x40;
	[sflag:s13] =	ssyncadd.s32 $0xFFFF4000  }
0xc5: {  	s2 =	simm.s32 $0xC000;
	s4 =	simm.s32 $0xC100;
	s15 =	rddreg [dreg:$0x2]  }
0xc6: {  	[hbm4b:s15+s0] =	stream.indirect.scatter [tilespmem:s4], [sflag:$0x1], $0x1, s2, s0, $0xb8;
	[tilespmem:$0xC200] =	vst v63  }
0xc7: {  	_ =	swait.ge [sflag:s13], $0x40  }
0xc8: {  	p0 =	sne.s32 s8, $0x1;
	[sflag:s13] =	ssyncset.done $0x0  }
.Ltmp0:
0xc9: {  	s4 =	simm.s32 $0xC080;
	[sflag:s13] =	ssyncadd.s32 $0xFFFFFFC0;
	(pc) =	sbr.rel @p0 .LBB2_1-.Ltmp0, $4  }
0xca: {  	[hbm4b:s15+s0] =	stream.indirect.scatter [tilespmem:s18], [sflag:$0x1], $0x1, s4, s0, $0xb8;
	[tilespmem:$0xC200] =	vst v63  }
0xcb: {  	_ =	swait.ge [sflag:s13], $0x40  }
0xcc: {  	[sflag:s13] =	ssyncset.done $0x0  }
0xcd: {  	s8 =	sadd.s32 $0xFFFFFFFF, s8;
	[sflag:s13] =	ssyncadd.s32 $0xFFFFFFC0  }
0xce: {  	_ =	sfence.sel $0x180000  }
0xcf: {  	[bflag:$0x0] =	sbarrier.arrive $0xFFFF  }
0xd0: {  	_ =	strace $0x90000047  }
0xd1: {  	s0 =	stileid.u32;
	[bflag:$0x2] =	sbarrier.arrive $0xFFFF  }
0xd2: {  	p0 =	sne.s32 s0, $0x0;
	s0 =	rddreg [dreg:$0x3]  }
0xd3: {  	s0 =	sadd.s32 @!p0 $0x100000, s0  }
0xd4: {  	[sflag:s0] =	ssyncadd.tile.s32 @!p0 $0x1;
	_ =	shalt  }
.Lfunc_end2:
_tile_overlayer_lowered:
.L_overlay_start_2:
0xd5: {  	(tag) =	ssettag $0x2  }
0xd6: {  	s0 =	rddreg [dreg:$0x0];
	s2 =	stileid.u32  }
0xd7: {  	s1 =	rddreg [dreg:$0x1];
	p0 =	sne.s32 s2, $0x0  }
0xd8: {  	s3 =	rddreg [dreg:$0x2];
	[bflag:$0x3] =	sbarrier.arrive $0xFFFF;
	s2 =	simm.s32 @!p0 $0x1C02  }
0xd9: {  	[timem:s3], [sflag:s2] =	dma.local @!p0 [hbm:s0], s1  }
0xda: {  	s0 =	simm.s32 @!p0 $0x2  }
0xdb: {  	_ =	swait.ge @!p0 [sflag:s0], s1  }
0xdc: {  	s1 =	ssub.s32 @!p0 $0x0, s1;
	[sflag:s0] =	ssyncset.done @!p0 $0x0  }
0xdd: {  	[sflag:s0] =	ssyncadd.s32 @!p0 s1  }
0xde: {  	[bflag:$0x3] =	sbarrier.arrive $0xFFFF  }
0xdf: {  	_ =	shalt  }

// kernel: kernel.9.cloned.1.call-start
scs
__scs_entry_jumppad:
0x0: {  	(pc) =	sbr.rel $0x88, $3  }
0x1: {  	(tag) =	ssettag $0x0;
	lr =	simm.s32 $0x1  }
0x2: {  	[smem:$0x3F9E] =	sst lr;
	_ =	strace $0xD0000000  }
0x3: {  	_ = 	snop  }
0x4: {  	_ = 	snop  }
0x5: {  	_ = 	snop  }
0x6: {  	_ = 	snop  }
0x7: {  	_ = 	snop  }
__scs_overlays_trampoline_lowered:
0x8: {  	[smem:$0x3FAD] =	sst s0  }
0x9: {  	[smem:$0x3FAE] =	sst s1  }
0xa: {  	[smem:$0x3FAF] =	sst s2  }
0xb: {  	[smem:$0x3FB0] =	sst s3  }
0xc: {  	[smem:$0x3FB1] =	sst s4  }
0xd: {  	[smem:$0x3FB2] =	sst s5  }
0xe: {  	[smem:$0x3FB3] =	sst s6  }
0xf: {  	[smem:$0x3FB4] =	sst s7  }
0x10: {  	[smem:$0x3FB5] =	sst s8  }
0x11: {  	[smem:$0x3FB6] =	sst s9;
	s0 =	simm.s32 @!p0 $0x0  }
0x12: {  	s1 =	sld [smem:$0x3F9C];
	s0 =	simm.s32 @p0 $0x1  }
0x13: {  	[smem:$0x3FB7] =	sst s0;
	s0 =	simm.s32 @!p1 $0x0  }
0x14: {  	s2 =	sld [smem:$0x3F9B];
	s0 =	simm.s32 @p1 $0x1  }
0x15: {  	[smem:$0x3FB8] =	sst s0;
	s0 =	simm.s32 @!p2 $0x0  }
0x16: {  	s3 =	sld [smem:$0x3FDB];
	s0 =	simm.s32 @p2 $0x1  }
0x17: {  	s4 =	simm.s32 $0x1BF5;
	[smem:$0x3FBA] =	sst s0  }
0x18: {  	s0 =	sld [smem:$0x3F9D];
	_ =	swait.ge [sflag:s4], $0x0  }
0x19: {  	s7 =	sld [smem:$0x3F9E]  }
0x1a: {  	s8 =	sadd.s32 $0xFFFFE003, lr  }
0x1b: {  	s9 =	sadd.s32 $0xFFFFFEF7, lr;
	s5 =	simm.s32 $0xFFFFFFFF;
	p2 =	slt.u32 s8, $0xFFFFF086  }
0x1c: {  	p1 =	slt.u32 s9, $0xF7A;
	s5 =	simm.s32 @!p2 $0x0  }
0x1d: {  	s5 =	simm.s32 @p1 $0x1;
	p0 =	seq.s32 s7, s2  }
0x1e: {  	s7 =	smul.u32 @!p0 $0xF7A, s2;
	p2 =	seq.s32 @!p0 s5, $0x0  }
0x1f: {  	s9 =	smul.u32 $0xF7A, s1;
	s8 =	simm.s32 @!p0 $0x1BF5;
	p2 =	por !p2, p0  }
0x20: {  	[sflag:s8] =	ssyncset.s32 @!p0 $0xFFFFF086;
	s6 =	sadd.s32 @!p0 s3, s7;
	s7 =	simm.s32 @!p0 $0x108  }
0x21: {  	s3 =	sadd.s32 s3, s9;
	s6 =	sadd.s32 @!p0 $0x88, s6;
	s7 =	simm.s32 @p2 $0x1082  }
0x22: {  	[simem:s7], [sflag:s8] =	dma.local @!p0 [hbm:s6], $0xF7A  }
0x23: {  	s9 =	sor.u32 $0xD0000000, s2;
	s6 =	simm.s32 $0x108;
	_ =	swait.ge @!p0 [sflag:s8], $0x0  }
0x24: {  	s3 =	sadd.s32 $0x88, s3;
	s6 =	simm.s32 @!p1 $0x1082;
	[sflag:s4] =	ssyncset.s32 $0xFFFFF086  }
0x25: {  	[simem:s6], [sflag:s4] =	dma.local [hbm:s3], $0xF7A  }
0x26: {  	[smem:$0x3F9E] =	sst s1;
	(tag) =	ssettag s2;
	_ =	strace s9  }
0x27: {  	s1 =	sld [smem:$0x3FAE]  }
0x28: {  	s2 =	sld [smem:$0x3FAF]  }
0x29: {  	s4 =	sld [smem:$0x3FB1]  }
0x2a: {  	p0 =	seq.s32 s5, $0x0;
	s5 =	sld [smem:$0x3FB2]  }
0x2b: {  	s6 =	sld [smem:$0x3FB3]  }
0x2c: {  	s7 =	sld [smem:$0x3FB4]  }
0x2d: {  	s3 =	simm.s32 $0x108;
	s8 =	sld [smem:$0x3FB5]  }
0x2e: {  	s3 =	simm.s32 @!p0 $0x1082;
	s9 =	sld [smem:$0x3FB6]  }
0x2f: {  	lr =	sadd.s32 s0, s3;
	s0 =	sld [smem:$0x3FAD]  }
0x30: {  	s3 =	sld [smem:$0x3FB0]  }
0x31: {  	[smem:$0x3FB9] =	sst s10  }
0x32: {  	s10 =	sld [smem:$0x3FB7];
	_ =	sdelay $0x3  }
0x33: {  	p0 =	seq.s32 s10, $0x1;
	s10 =	sld [smem:$0x3FB9];
	_ =	sdelay $0x3  }
0x34: {  	[smem:$0x3FB9] =	sst s10  }
0x35: {  	s10 =	sld [smem:$0x3FB8];
	_ =	sdelay $0x3  }
0x36: {  	p1 =	seq.s32 s10, $0x1;
	s10 =	sld [smem:$0x3FB9];
	_ =	sdelay $0x3  }
0x37: {  	[smem:$0x3FB9] =	sst s10  }
0x38: {  	s10 =	sld [smem:$0x3FBA]  }
0x39: {  	_ = 	snop;
	(pc) =	sbr.ind lr, $3  }
0x3a: {  	_ = 	snop  }
0x3b: {  	_ = 	snop  }
0x3c: {  	p2 =	seq.s32 s10, $0x1;
	s10 =	sld [smem:$0x3FB9]  }
0x3d: {  	_ =	shalt  }
0x3e: {  	_ =	shalt  }
0x3f: {  	_ =	shalt  }
0x40: {  	_ =	shalt  }
0x41: {  	_ =	shalt  }
0x42: {  	_ =	shalt  }
0x43: {  	_ =	shalt  }
0x44: {  	_ =	shalt  }
0x45: {  	_ =	shalt  }
0x46: {  	_ =	shalt  }
0x47: {  	_ =	shalt  }
0x48: {  	_ =	shalt  }
0x49: {  	_ =	shalt  }
0x4a: {  	_ =	shalt  }
0x4b: {  	_ =	shalt  }
0x4c: {  	_ =	shalt  }
0x4d: {  	_ =	shalt  }
0x4e: {  	_ =	shalt  }
0x4f: {  	_ =	shalt  }
0x50: {  	_ =	shalt  }
0x51: {  	_ =	shalt  }
0x52: {  	_ =	shalt  }
0x53: {  	_ =	shalt  }
0x54: {  	_ =	shalt  }
0x55: {  	_ =	shalt  }
0x56: {  	_ =	shalt  }
0x57: {  	_ =	shalt  }
0x58: {  	_ =	shalt  }
0x59: {  	_ =	shalt  }
0x5a: {  	_ =	shalt  }
0x5b: {  	_ =	shalt  }
0x5c: {  	_ =	shalt  }
0x5d: {  	_ =	shalt  }
0x5e: {  	_ =	shalt  }
0x5f: {  	_ =	shalt  }
0x60: {  	_ =	shalt  }
0x61: {  	_ =	shalt  }
0x62: {  	_ =	shalt  }
0x63: {  	_ =	shalt  }
0x64: {  	_ =	shalt  }
0x65: {  	_ =	shalt  }
0x66: {  	_ =	shalt  }
0x67: {  	_ =	shalt  }
0x68: {  	_ =	shalt  }
0x69: {  	_ =	shalt  }
0x6a: {  	_ =	shalt  }
0x6b: {  	_ =	shalt  }
0x6c: {  	_ =	shalt  }
0x6d: {  	_ =	shalt  }
0x6e: {  	_ =	shalt  }
0x6f: {  	_ =	shalt  }
0x70: {  	_ =	shalt  }
0x71: {  	_ =	shalt  }
0x72: {  	_ =	shalt  }
0x73: {  	_ =	shalt  }
0x74: {  	_ =	shalt  }
0x75: {  	_ =	shalt  }
0x76: {  	_ =	shalt  }
0x77: {  	_ =	shalt  }
0x78: {  	_ =	shalt  }
0x79: {  	_ =	shalt  }
0x7a: {  	_ =	shalt  }
0x7b: {  	_ =	shalt  }
0x7c: {  	_ =	shalt  }
0x7d: {  	_ =	shalt  }
0x7e: {  	_ =	shalt  }
0x7f: {  	_ =	shalt  }
0x80: {  	_ =	shalt  }
0x81: {  	_ =	shalt  }
0x82: {  	_ =	shalt  }
0x83: {  	_ =	shalt  }
0x84: {  	_ =	shalt  }
0x85: {  	_ =	shalt  }
0x86: {  	_ =	shalt  }
0x87: {  	_ =	shalt  }
.Lfunc_end0:
.L_simem_size_0:
called_computation.1_lowered:
.L_overlay_start_0:
0x88: {  	s2 =	sld [smem:$0x3FD9]  }
0x89: {  	s3 =	sld [smem:$0x3FFE];
	_ =	sdelay $0x1  }
0x8a: {  	s1 =	srdreg.scid  }
0x8b: {  	s0 =	sand.u32 $0x1, s1  }
0x8c: {  	s17 =	sshll.u32 s0, $0xA;
	s2 =	sadd.s32 s3, s2  }
0x8d: {  	s2 =	sadd.s32 s2, s17  }
0x8e: {  	[smem:$0x3FC5] =	sst s2  }
0x8f: {  	_ = 	snop  }
0x90: {  	s2 =	sld [smem:$0x3FD0];
	(tm) =	ssettm $0x1  }
0x91: {  	s18 =	sld [smem:$0x3FFB];
	_ =	sdelay $0x3  }
0x92: {  	_ =	strace s18  }
0x93: {  	s3 =	sld [smem:$0x3FFC];
	_ =	sdelay $0x3  }
0x94: {  	_ =	strace s3  }
0x95: {  	s3 =	sld [smem:$0x3FFD];
	_ =	sdelay $0x3  }
0x96: {  	_ =	strace s3  }
0x97: {  	_ =	strace $0x8FFFFFFF  }
0x98: {  	s19 =	sld [smem:$0x3FDB];
	_ =	sdelay $0x1  }
0x99: {  	s4 =	simm.s32 $_scs_section_size  }
0x9a: {  	s5 =	simm.s32 $_size__tile_overlayer_lowered;
	s6 =	simm.s32 $_tile_overlayer_lowered  }
0x9b: {  	s22 =	simm.s32 $0x1BFF;
	s21 =	sshll.u32 s6, $0x1;
	s3 =	sadd.s32 s4, s19  }
0x9c: {  	s7 =	simm.s32 $0x0;
	s20 =	sshll.u32 s5, $0x1;
	s5 =	sadd.s32 s21, s3  }
0x9d: {  	[timem:s7], [sflag:s22] =	dma.local [hbm:s5], s20  }
0x9e: {  	_ =	swait.ge [sflag:s22], s20  }
0x9f: {  	s4 =	ssub.s32 $0x0, s20;
	[sflag:s22] =	ssyncset.done $0x0  }
0xa0: {  	[sflag:s22] =	ssyncadd.s32 s4;
	_ =	sdelay $0x1  }
0xa1: {  	s23 =	simm.s32 $0x1B8B  }
0xa2: {  	_ =	swait.ge [sflag:s23], $0x1  }
0xa3: {  	[sflag:s23] =	ssyncset.done $0x0  }
0xa4: {  	s25 =	simm.s32 $0x1B8E;
	s24 =	sld [smem:$0x3FFE];
	[sflag:s23] =	ssyncadd.s32 $0xFFFFFFFF  }
0xa5: {  	s26 =	simm.s32 $execute0_lowered;
	[smem:$0x3FD2] =	sst s25  }
0xa6: {  	s5 =	sshll.u32 s26, $0x1;
	_ =	strace $0x80000049;
	[dreg:$0x1] =	wrdreg $0xFFFFFFFF  }
0xa7: {  	s28 =	simm.s32 $_size_execute0_lowered;
	s3 =	sadd.s32 s3, s5;
	[dreg:$0x0] =	wrdreg $0x0  }
0xa8: {  	s5 =	sshll.u32 s28, $0x1;
	[dreg:$0x2] =	wrdreg s3  }
0xa9: {  	[dreg:$0x3] =	wrdreg s5  }
0xaa: {  	[dreg:$0x4] =	wrdreg $0xC0  }
0xab: {  	_ =	task [dreg:s7], $0x5FFFF  }
0xac: {  	[dreg:$0x1] =	wrdreg $0xFFFFFFFF  }
0xad: {  	[dreg:$0x0] =	wrdreg $0x60  }
0xae: {  	[dreg:$0x2] =	wrdreg s24  }
0xaf: {  	[dreg:$0x3] =	wrdreg s2  }
0xb0: {  	[dreg:$0x4] =	wrdreg $0x9  }
0xb1: {  	_ =	task.clear_ibuf [dreg:s7], $0x5FFFF;
	_ =	strace $0x90000049  }
0xb2: {  	s29 =	simm.s32 $0x9;
	_ =	strace $0x8000004B  }
0xb3: {  	_ =	swait.ge [sflag:s29], $0x1  }
0xb4: {  	[sflag:s29] =	ssyncadd.s32 $0xFFFFFFFF  }
0xb5: {  	_ =	strace $0x9000004B  }
0xb6: {  	_ =	sfence  }
0xb7: {  	s30 =	sld [smem:$0x0];
	_ =	sdelay $0x2  }
0xb8: {  	s31 =	sshll.u32 s1, $0xD;
	s1 =	sshrl.u32 s1, $0x2  }
0xb9: {  	s3 =	sand.u32 $0x4000, s31;
	s1 =	sadd.s32 s1, s30  }
0xba: {  	s0 =	sor.u32 s3, s0;
	s1 =	sshll.u32 s1, $0x11  }
0xbb: {  	s0 =	sor.u32 s1, s0  }
0xbc: {  	s0 =	sadd.s32 $0x8F2B, s0  }
0xbd: {  	[sflag:s0] =	ssyncadd.remote.s32 $0x1  }
0xbe: {  	_ =	sfence.sel $0xFFFF  }
0xbf: {  	[dreg:$0x0] =	wrdreg $0xFFFFFFFF;
	(pc) =	sbr.abs _section_cstart, $3  }
0xc0: {  	[dreg:$0x1] =	wrdreg $0xFFFFFFFF  }
0xc1: {  	_ =	task.clear_ibuf [dreg:s7], $0x2FFFF;
	_ =	strace $0x9FFFFFFF  }
0xc2: {  	(tm) =	ssettm $0x7FFFFFFF  }
0xc3: {  	_ =	shalt  }
tec
execute0_lowered:
.L_overlay_start_1:
0x0: {  	(tag) =	ssettag $0x1  }
0x1: {  	s0 =	rddreg [dreg:$0x0]  }
0x2: {  	s1 =	rddreg [dreg:$0x1];
	s3 =	srdreg.scid;
	s2 =	simm.s32 $0x0  }
0x3: {  	s4 =	stileid.u32;
	s11 =	simm.s32 $0x3;
	s24 =	simm.s32 $0x11000  }
0x4: {  	s25 =	simm.s32 $0x11800;
	s28 =	simm.s32 $0x12800;
	s29 =	simm.s32 $0x13000  }
0x5: {  	s30 =	simm.s32 $0x13800;
	s31 =	simm.s32 $0x14000;
	s10 =	simm.s32 $0x15800  }
0x6: {  	s12 =	simm.s32 $0x16000;
	s13 =	simm.s32 $0x16800;
	s14 =	simm.s32 $0x17000  }
0x7: {  	s15 =	simm.s32 $0x17800;
	s16 =	simm.s32 $0x1;
	s17 =	simm.s32 $0x2  }
0x8: {  	s18 =	simm.s32 $0x0;
	s3 =	sand.u32 $0x1, s3;
	[smem:$0x7FF] =	sst s2  }
0x9: {  	s4 =	sshll.u32 s4, $0x4;
	s7 =	sadd.s32 $0x600, s0;
	s5 =	sshll.u32 s3, $0x3  }
0xa: {  	_ =	strace $0x8000004A;
	s6 =	ssub.s32 $0x2, s3;
	s4 =	sor.u32 s5, s4  }
0xb: {  	s26 =	sshrl.u32 s6, $0x1;
	s3 =	sadd.s32 s0, s4;
	s8 =	smul.u32 $0x300, s4  }
0xc: {  	v2 =	vlaneseq.u32;
	s4 =	sadd.s32 $0x400, s0;
	s9 =	ssub.s32 s6, s26;
	s6 =	sadd.s32 $0x500, s0  }
0xd: {  	vm0 =	vmmov $0xffff;
	v1 =	vshrl.u32 v2, $0x3;
	s26 =	simm.s32 $0x12000;
	s0 =	simm.s32 $0x14800;
	s5 =	sadd.s32 $0x200, s3  }
0xe: {  	v0 =	vand.u32 $0x7, v2;
	v2 =	vor.u32 $0x8, v2;
	v1 =	vmul.u32 $0x8, v1;
	s9 =	smax.u32 s9, $0x1;
	s8 =	sadd.s32 s1, s8;
	s1 =	simm.s32 $0x15000  }
.LBB2_1:
0xf: {  	s19 =	simm.s32 $0x18000  }
0x10: {  	[tilespmem:s19], [sflag:$0x3] =	stream.linear.gather [hbm4b:s3+s2], $0x40, $0x38;
	[tilespmem:$0x18100] =	vst v63  }
0x11: {  	_ =	swait.ge [sflag:s11], $0x40  }
0x12: {  	[sflag:s11] =	ssyncset.done $0x0  }
0x13: {  	s21 =	simm.s32 $0x18080;
	[sflag:s11] =	ssyncadd.s32 $0xFFFFFFC0  }
0x14: {  	[tilespmem:s21], [sflag:$0x3] =	stream.linear.gather [hbm4b:s5+s2], $0x40, $0x38;
	[tilespmem:$0x18100] =	vst v63  }
0x15: {  	_ =	swait.ge [sflag:s11], $0x40  }
0x16: {  	[sflag:s11] =	ssyncset.done $0x0  }
0x17: {  	[sflag:s11] =	ssyncadd.s32 $0xFFFFFFC0  }
0x18: {  	v3 =	vld [tilespmem:$0x18000];
	_ =	sdelay $0x4  }
0x19: {  	v4 =	vshrl.u32 v3, $0x3  }
0x1a: {  	v4 =	vmul.u32 $0x30, v4  }
0x1b: {  	v3 =	vand.u32 $0x7, v3  }
0x1c: {  	v3 =	vor.u32 v3, v4  }
0x1d: {  	v4 =	vperm.xlane v3, v0;
	_ =	sdelay $0x1  }
0x1e: {  	v4 =	vadd.s32 v1, v4;
	_ =	sdelay $0x3  }
0x1f: {  	v3 =	vperm.xlane v3, v2  }
0x20: {  	[tilespmem:s2], [sflag:$0x1] =	stream.indirect_vreg.gather [hbm4b:s4+s2], $0x80, v4, vm0, $0xb8;
	[tilespmem:$0x18100] =	vst v63  }
0x21: {  	s22 =	simm.s32 $0x800;
	v3 =	vadd.s32 v1, v3  }
0x22: {  	[tilespmem:s22], [sflag:$0x1] =	stream.indirect_vreg.gather [hbm4b:s6+s2], $0x80, v4, vm0, $0xb8;
	[tilespmem:$0x18100] =	vst v63  }
0x23: {  	s23 =	simm.s32 $0x1000  }
0x24: {  	[tilespmem:s23], [sflag:$0x1] =	stream.indirect_vreg.gather [hbm4b:s7+s2], $0x80, v4, vm0, $0xb8;
	[tilespmem:$0x18100] =	vst v63  }
0x25: {  	s20 =	simm.s32 $0x1800  }
0x26: {  	[tilespmem:s20], [sflag:$0x1] =	stream.indirect_vreg.gather [hbm4b:s4+s2], $0x80, v3, vm0, $0xb8;
	[tilespmem:$0x18100] =	vst v63  }
0x27: {  	s21 =	simm.s32 $0x2000  }
0x28: {  	[tilespmem:s21], [sflag:$0x1] =	stream.indirect_vreg.gather [hbm4b:s6+s2], $0x80, v3, vm0, $0xb8;
	[tilespmem:$0x18100] =	vst v63  }
0x29: {  	s22 =	simm.s32 $0x2800  }
0x2a: {  	[tilespmem:s22], [sflag:$0x1] =	stream.indirect_vreg.gather [hbm4b:s7+s2], $0x80, v3, vm0, $0xb8;
	[tilespmem:$0x18100] =	vst v63  }
0x2b: {  	v3 =	vld [tilespmem:$0x18010];
	_ =	sdelay $0x4  }
0x2c: {  	v4 =	vshrl.u32 v3, $0x3  }
0x2d: {  	v4 =	vmul.u32 $0x30, v4  }
0x2e: {  	v3 =	vand.u32 $0x7, v3  }
0x2f: {  	v3 =	vor.u32 v3, v4  }
0x30: {  	v4 =	vperm.xlane v3, v0;
	_ =	sdelay $0x1  }
0x31: {  	v4 =	vadd.s32 v1, v4;
	_ =	sdelay $0x3  }
0x32: {  	s23 =	simm.s32 $0x3000;
	v3 =	vperm.xlane v3, v2  }
0x33: {  	[tilespmem:s23], [sflag:$0x1] =	stream.indirect_vreg.gather [hbm4b:s4+s2], $0x80, v4, vm0, $0xb8;
	[tilespmem:$0x18100] =	vst v63  }
0x34: {  	s20 =	simm.s32 $0x3800;
	v3 =	vadd.s32 v1, v3  }
0x35: {  	[tilespmem:s20], [sflag:$0x1] =	stream.indirect_vreg.gather [hbm4b:s6+s2], $0x80, v4, vm0, $0xb8;
	[tilespmem:$0x18100] =	vst v63  }
0x36: {  	s21 =	simm.s32 $0x4000  }
0x37: {  	[tilespmem:s21], [sflag:$0x1] =	stream.indirect_vreg.gather [hbm4b:s7+s2], $0x80, v4, vm0, $0xb8;
	[tilespmem:$0x18100] =	vst v63  }
0x38: {  	s22 =	simm.s32 $0x4800  }
0x39: {  	[tilespmem:s22], [sflag:$0x1] =	stream.indirect_vreg.gather [hbm4b:s4+s2], $0x80, v3, vm0, $0xb8;
	[tilespmem:$0x18100] =	vst v63  }
0x3a: {  	s23 =	simm.s32 $0x5000  }
0x3b: {  	[tilespmem:s23], [sflag:$0x1] =	stream.indirect_vreg.gather [hbm4b:s6+s2], $0x80, v3, vm0, $0xb8;
	[tilespmem:$0x18100] =	vst v63  }
0x3c: {  	s20 =	simm.s32 $0x5800  }
0x3d: {  	[tilespmem:s20], [sflag:$0x1] =	stream.indirect_vreg.gather [hbm4b:s7+s2], $0x80, v3, vm0, $0xb8;
	[tilespmem:$0x18100] =	vst v63  }
0x3e: {  	v3 =	vld [tilespmem:$0x18020];
	_ =	sdelay $0x4  }
0x3f: {  	v4 =	vshrl.u32 v3, $0x3  }
0x40: {  	v4 =	vmul.u32 $0x30, v4  }
0x41: {  	v3 =	vand.u32 $0x7, v3  }
0x42: {  	v3 =	vor.u32 v3, v4  }
0x43: {  	v4 =	vperm.xlane v3, v0;
	_ =	sdelay $0x1  }
0x44: {  	v4 =	vadd.s32 v1, v4;
	_ =	sdelay $0x3  }
0x45: {  	s21 =	simm.s32 $0x6000;
	v3 =	vperm.xlane v3, v2  }
0x46: {  	[tilespmem:s21], [sflag:$0x1] =	stream.indirect_vreg.gather [hbm4b:s4+s2], $0x80, v4, vm0, $0xb8;
	[tilespmem:$0x18100] =	vst v63  }
0x47: {  	s22 =	simm.s32 $0x6800;
	v3 =	vadd.s32 v1, v3  }
0x48: {  	[tilespmem:s22], [sflag:$0x1] =	stream.indirect_vreg.gather [hbm4b:s6+s2], $0x80, v4, vm0, $0xb8;
	[tilespmem:$0x18100] =	vst v63  }
0x49: {  	s23 =	simm.s32 $0x7000  }
0x4a: {  	[tilespmem:s23], [sflag:$0x1] =	stream.indirect_vreg.gather [hbm4b:s7+s2], $0x80, v4, vm0, $0xb8;
	[tilespmem:$0x18100] =	vst v63  }
0x4b: {  	s20 =	simm.s32 $0x7800  }
0x4c: {  	[tilespmem:s20], [sflag:$0x1] =	stream.indirect_vreg.gather [hbm4b:s4+s2], $0x80, v3, vm0, $0xb8;
	[tilespmem:$0x18100] =	vst v63  }
0x4d: {  	s21 =	simm.s32 $0x8000  }
0x4e: {  	[tilespmem:s21], [sflag:$0x1] =	stream.indirect_vreg.gather [hbm4b:s6+s2], $0x80, v3, vm0, $0xb8;
	[tilespmem:$0x18100] =	vst v63  }
0x4f: {  	s22 =	simm.s32 $0x8800  }
0x50: {  	[tilespmem:s22], [sflag:$0x1] =	stream.indirect_vreg.gather [hbm4b:s7+s2], $0x80, v3, vm0, $0xb8;
	[tilespmem:$0x18100] =	vst v63  }
0x51: {  	v3 =	vld [tilespmem:$0x18030];
	_ =	sdelay $0x4  }
0x52: {  	v4 =	vshrl.u32 v3, $0x3  }
0x53: {  	v4 =	vmul.u32 $0x30, v4  }
0x54: {  	v3 =	vand.u32 $0x7, v3  }
0x55: {  	v3 =	vor.u32 v3, v4  }
0x56: {  	v4 =	vperm.xlane v3, v0;
	_ =	sdelay $0x1  }
0x57: {  	v4 =	vadd.s32 v1, v4;
	_ =	sdelay $0x3  }
0x58: {  	s23 =	simm.s32 $0x9000;
	v3 =	vperm.xlane v3, v2  }
0x59: {  	[tilespmem:s23], [sflag:$0x1] =	stream.indirect_vreg.gather [hbm4b:s4+s2], $0x80, v4, vm0, $0xb8;
	[tilespmem:$0x18100] =	vst v63  }
0x5a: {  	s20 =	simm.s32 $0x9800;
	v3 =	vadd.s32 v1, v3  }
0x5b: {  	[tilespmem:s20], [sflag:$0x1] =	stream.indirect_vreg.gather [hbm4b:s6+s2], $0x80, v4, vm0, $0xb8;
	[tilespmem:$0x18100] =	vst v63  }
0x5c: {  	s21 =	simm.s32 $0xA000  }
0x5d: {  	[tilespmem:s21], [sflag:$0x1] =	stream.indirect_vreg.gather [hbm4b:s7+s2], $0x80, v4, vm0, $0xb8;
	[tilespmem:$0x18100] =	vst v63  }
0x5e: {  	s22 =	simm.s32 $0xA800  }
0x5f: {  	[tilespmem:s22], [sflag:$0x1] =	stream.indirect_vreg.gather [hbm4b:s4+s2], $0x80, v3, vm0, $0xb8;
	[tilespmem:$0x18100] =	vst v63  }
0x60: {  	s23 =	simm.s32 $0xB000  }
0x61: {  	[tilespmem:s23], [sflag:$0x1] =	stream.indirect_vreg.gather [hbm4b:s6+s2], $0x80, v3, vm0, $0xb8;
	[tilespmem:$0x18100] =	vst v63  }
0x62: {  	s20 =	simm.s32 $0xB800  }
0x63: {  	[tilespmem:s20], [sflag:$0x1] =	stream.indirect_vreg.gather [hbm4b:s7+s2], $0x80, v3, vm0, $0xb8;
	[tilespmem:$0x18100] =	vst v63  }
0x64: {  	v3 =	vld [tilespmem:$0x18080];
	_ =	sdelay $0x4  }
0x65: {  	v4 =	vshrl.u32 v3, $0x3  }
0x66: {  	v4 =	vmul.u32 $0x30, v4  }
0x67: {  	v3 =	vand.u32 $0x7, v3  }
0x68: {  	v3 =	vor.u32 v3, v4  }
0x69: {  	v4 =	vperm.xlane v3, v0;
	_ =	sdelay $0x1  }
0x6a: {  	v4 =	vadd.s32 v1, v4;
	_ =	sdelay $0x3  }
0x6b: {  	s21 =	simm.s32 $0xC000;
	v3 =	vperm.xlane v3, v2  }
0x6c: {  	[tilespmem:s21], [sflag:$0x2] =	stream.indirect_vreg.gather [hbm4b:s4+s2], $0x80, v4, vm0, $0xb8;
	[tilespmem:$0x18100] =	vst v63  }
0x6d: {  	s22 =	simm.s32 $0xC800;
	v3 =	vadd.s32 v1, v3  }
0x6e: {  	[tilespmem:s22], [sflag:$0x2] =	stream.indirect_vreg.gather [hbm4b:s6+s2], $0x80, v4, vm0, $0xb8;
	[tilespmem:$0x18100] =	vst v63  }
0x6f: {  	s23 =	simm.s32 $0xD000  }
0x70: {  	[tilespmem:s23], [sflag:$0x2] =	stream.indirect_vreg.gather [hbm4b:s7+s2], $0x80, v4, vm0, $0xb8;
	[tilespmem:$0x18100] =	vst v63  }
0x71: {  	s20 =	simm.s32 $0xD800  }
0x72: {  	[tilespmem:s20], [sflag:$0x2] =	stream.indirect_vreg.gather [hbm4b:s4+s2], $0x80, v3, vm0, $0xb8;
	[tilespmem:$0x18100] =	vst v63  }
0x73: {  	s21 =	simm.s32 $0xE000  }
0x74: {  	[tilespmem:s21], [sflag:$0x2] =	stream.indirect_vreg.gather [hbm4b:s6+s2], $0x80, v3, vm0, $0xb8;
	[tilespmem:$0x18100] =	vst v63  }
0x75: {  	s22 =	simm.s32 $0xE800  }
0x76: {  	[tilespmem:s22], [sflag:$0x2] =	stream.indirect_vreg.gather [hbm4b:s7+s2], $0x80, v3, vm0, $0xb8;
	[tilespmem:$0x18100] =	vst v63  }
0x77: {  	v3 =	vld [tilespmem:$0x18090];
	_ =	sdelay $0x4  }
0x78: {  	v4 =	vshrl.u32 v3, $0x3  }
0x79: {  	v4 =	vmul.u32 $0x30, v4  }
0x7a: {  	v3 =	vand.u32 $0x7, v3  }
0x7b: {  	v3 =	vor.u32 v3, v4  }
0x7c: {  	v4 =	vperm.xlane v3, v0;
	_ =	sdelay $0x1  }
0x7d: {  	v4 =	vadd.s32 v1, v4;
	_ =	sdelay $0x3  }
0x7e: {  	s23 =	simm.s32 $0xF000;
	v3 =	vperm.xlane v3, v2  }
0x7f: {  	[tilespmem:s23], [sflag:$0x2] =	stream.indirect_vreg.gather [hbm4b:s4+s2], $0x80, v4, vm0, $0xb8;
	[tilespmem:$0x18100] =	vst v63  }
0x80: {  	s20 =	simm.s32 $0xF800;
	v3 =	vadd.s32 v1, v3  }
0x81: {  	[tilespmem:s20], [sflag:$0x2] =	stream.indirect_vreg.gather [hbm4b:s6+s2], $0x80, v4, vm0, $0xb8;
	[tilespmem:$0x18100] =	vst v63  }
0x82: {  	s21 =	simm.s32 $0x10000  }
0x83: {  	[tilespmem:s21], [sflag:$0x2] =	stream.indirect_vreg.gather [hbm4b:s7+s2], $0x80, v4, vm0, $0xb8;
	[tilespmem:$0x18100] =	vst v63  }
0x84: {  	s22 =	simm.s32 $0x10800  }
0x85: {  	[tilespmem:s22], [sflag:$0x2] =	stream.indirect_vreg.gather [hbm4b:s4+s2], $0x80, v3, vm0, $0xb8;
	[tilespmem:$0x18100] =	vst v63  }
0x86: {  	_ = 	snop  }
0x87: {  	[tilespmem:s24], [sflag:$0x2] =	stream.indirect_vreg.gather [hbm4b:s6+s2], $0x80, v3, vm0, $0xb8;
	[tilespmem:$0x18100] =	vst v63  }
0x88: {  	_ = 	snop  }
0x89: {  	[tilespmem:s25], [sflag:$0x2] =	stream.indirect_vreg.gather [hbm4b:s7+s2], $0x80, v3, vm0, $0xb8;
	[tilespmem:$0x18100] =	vst v63  }
0x8a: {  	v3 =	vld [tilespmem:$0x180A0];
	_ =	sdelay $0x4  }
0x8b: {  	v4 =	vshrl.u32 v3, $0x3  }
0x8c: {  	v4 =	vmul.u32 $0x30, v4  }
0x8d: {  	v3 =	vand.u32 $0x7, v3  }
0x8e: {  	v3 =	vor.u32 v3, v4  }
0x8f: {  	v4 =	vperm.xlane v3, v0;
	_ =	sdelay $0x1  }
0x90: {  	v4 =	vadd.s32 v1, v4;
	_ =	sdelay $0x3  }
0x91: {  	v3 =	vperm.xlane v3, v2  }
0x92: {  	[tilespmem:s26], [sflag:$0x2] =	stream.indirect_vreg.gather [hbm4b:s4+s2], $0x80, v4, vm0, $0xb8;
	[tilespmem:$0x18100] =	vst v63  }
0x93: {  	v3 =	vadd.s32 v1, v3  }
0x94: {  	[tilespmem:s28], [sflag:$0x2] =	stream.indirect_vreg.gather [hbm4b:s6+s2], $0x80, v4, vm0, $0xb8;
	[tilespmem:$0x18100] =	vst v63  }
0x95: {  	_ = 	snop  }
0x96: {  	[tilespmem:s29], [sflag:$0x2] =	stream.indirect_vreg.gather [hbm4b:s7+s2], $0x80, v4, vm0, $0xb8;
	[tilespmem:$0x18100] =	vst v63  }
0x97: {  	_ = 	snop  }
0x98: {  	[tilespmem:s30], [sflag:$0x2] =	stream.indirect_vreg.gather [hbm4b:s4+s2], $0x80, v3, vm0, $0xb8;
	[tilespmem:$0x18100] =	vst v63  }
0x99: {  	_ = 	snop  }
0x9a: {  	[tilespmem:s31], [sflag:$0x2] =	stream.indirect_vreg.gather [hbm4b:s6+s2], $0x80, v3, vm0, $0xb8;
	[tilespmem:$0x18100] =	vst v63  }
0x9b: {  	_ = 	snop  }
0x9c: {  	[tilespmem:s0], [sflag:$0x2] =	stream.indirect_vreg.gather [hbm4b:s7+s2], $0x80, v3, vm0, $0xb8;
	[tilespmem:$0x18100] =	vst v63  }
0x9d: {  	v3 =	vld [tilespmem:$0x180B0];
	_ =	sdelay $0x4  }
0x9e: {  	v4 =	vshrl.u32 v3, $0x3  }
0x9f: {  	v4 =	vmul.u32 $0x30, v4  }
0xa0: {  	v3 =	vand.u32 $0x7, v3  }
0xa1: {  	v3 =	vor.u32 v3, v4  }
0xa2: {  	v4 =	vperm.xlane v3, v0;
	_ =	sdelay $0x1  }
0xa3: {  	v4 =	vadd.s32 v1, v4;
	_ =	sdelay $0x3  }
0xa4: {  	v3 =	vperm.xlane v3, v2  }
0xa5: {  	[tilespmem:s1], [sflag:$0x2] =	stream.indirect_vreg.gather [hbm4b:s4+s2], $0x80, v4, vm0, $0xb8;
	[tilespmem:$0x18100] =	vst v63  }
0xa6: {  	v3 =	vadd.s32 v1, v3  }
0xa7: {  	[tilespmem:s10], [sflag:$0x2] =	stream.indirect_vreg.gather [hbm4b:s6+s2], $0x80, v4, vm0, $0xb8;
	[tilespmem:$0x18100] =	vst v63  }
0xa8: {  	_ = 	snop  }
0xa9: {  	[tilespmem:s12], [sflag:$0x2] =	stream.indirect_vreg.gather [hbm4b:s7+s2], $0x80, v4, vm0, $0xb8;
	[tilespmem:$0x18100] =	vst v63  }
0xaa: {  	_ = 	snop  }
0xab: {  	[tilespmem:s13], [sflag:$0x2] =	stream.indirect_vreg.gather [hbm4b:s4+s2], $0x80, v3, vm0, $0xb8;
	[tilespmem:$0x18100] =	vst v63  }
0xac: {  	_ = 	snop  }
0xad: {  	[tilespmem:s14], [sflag:$0x2] =	stream.indirect_vreg.gather [hbm4b:s6+s2], $0x80, v3, vm0, $0xb8;
	[tilespmem:$0x18100] =	vst v63  }
0xae: {  	_ = 	snop  }
0xaf: {  	[tilespmem:s15], [sflag:$0x2] =	stream.indirect_vreg.gather [hbm4b:s7+s2], $0x80, v3, vm0, $0xb8;
	[tilespmem:$0x18100] =	vst v63  }
0xb0: {  	_ =	swait.ge [sflag:s16], $0xC000  }
0xb1: {  	[sflag:s16] =	ssyncset.done $0x0  }
0xb2: {  	s23 =	simm.s32 $0x0;
	[sflag:s16] =	ssyncadd.s32 $0xFFFF4000  }
0xb3: {  	s19 =	smul.u32 $0x1800, s23;
	_ =	swait.ge [sflag:s17], $0xC000  }
0xb4: {  	s20 =	sand.u32 $0x380, s2;
	[sflag:s17] =	ssyncset.done $0x0  }
0xb5: {  	s19 =	sor.u32 s20, s19;
	[sflag:s17] =	ssyncadd.s32 $0xFFFF4000  }
0xb6: {  	v12 =	vld [tilespmem:s19+$0xC000]  }
0xb7: {  	v13 =	vld [tilespmem:s19+$0xC010]  }
0xb8: {  	v14 =	vld [tilespmem:s19+$0xC020]  }
0xb9: {  	v15 =	vld [tilespmem:s19+$0xC030]  }
0xba: {  	v16 =	vld [tilespmem:s19+$0xC040]  }
0xbb: {  	v17 =	vld [tilespmem:s19+$0xC050]  }
0xbc: {  	v18 =	vld [tilespmem:s19+$0xC060]  }
0xbd: {  	v19 =	vld [tilespmem:s19+$0xC070]  }
0xbe: {  	v20 =	vld [tilespmem:s19+$0xC400]  }
0xbf: {  	v21 =	vld [tilespmem:s19+$0xC410]  }
0xc0: {  	v22 =	vld [tilespmem:s19+$0xC420]  }
0xc1: {  	v23 =	vld [tilespmem:s19+$0xC430]  }
0xc2: {  	v24 =	vld [tilespmem:s19+$0xC440]  }
0xc3: {  	v25 =	vld [tilespmem:s19+$0xC450]  }
0xc4: {  	v26 =	vld [tilespmem:s19+$0xC460]  }
0xc5: {  	v27 =	vld [tilespmem:s19+$0xC470]  }
0xc6: {  	v28 =	vld [tilespmem:s19+$0xC800]  }
0xc7: {  	v29 =	vld [tilespmem:s19+$0xC810]  }
0xc8: {  	v30 =	vld [tilespmem:s19+$0xC820]  }
0xc9: {  	v31 =	vld [tilespmem:s19+$0xC830]  }
0xca: {  	v32 =	vld [tilespmem:s19+$0xC840]  }
0xcb: {  	v33 =	vld [tilespmem:s19+$0xC850]  }
0xcc: {  	v34 =	vld [tilespmem:s19+$0xC860]  }
0xcd: {  	v35 =	vld [tilespmem:s19+$0xC870]  }
0xce: {  	v36 =	vld [tilespmem:s19+$0xCC00]  }
0xcf: {  	v37 =	vld [tilespmem:s19+$0xCC10]  }
0xd0: {  	v38 =	vld [tilespmem:s19+$0xCC20]  }
0xd1: {  	v39 =	vld [tilespmem:s19+$0xCC30]  }
0xd2: {  	v40 =	vld [tilespmem:s19+$0xCC40]  }
0xd3: {  	v41 =	vld [tilespmem:s19+$0xCC50]  }
0xd4: {  	v42 =	vld [tilespmem:s19+$0xCC60]  }
0xd5: {  	v43 =	vld [tilespmem:s19+$0xCC70]  }
0xd6: {  	v44 =	vld [tilespmem:s19+$0xD000]  }
0xd7: {  	v45 =	vld [tilespmem:s19+$0xD010]  }
0xd8: {  	v46 =	vld [tilespmem:s19+$0xD020]  }
0xd9: {  	v47 =	vld [tilespmem:s19+$0xD030]  }
0xda: {  	v48 =	vld [tilespmem:s19+$0xD040]  }
0xdb: {  	v49 =	vld [tilespmem:s19+$0xD050]  }
0xdc: {  	v50 =	vld [tilespmem:s19+$0xD060]  }
0xdd: {  	v11 =	vld [tilespmem:s19+$0xD070]  }
0xde: {  	v10 =	vld [tilespmem:s19+$0xD400]  }
0xdf: {  	v9 =	vld [tilespmem:s19+$0xD410]  }
0xe0: {  	v8 =	vld [tilespmem:s19+$0xD420]  }
0xe1: {  	v7 =	vld [tilespmem:s19+$0xD430]  }
0xe2: {  	v6 =	vld [tilespmem:s19+$0xD440]  }
0xe3: {  	v51 =	vld [tilespmem:s19+$0x0]  }
0xe4: {  	v52 =	vld [tilespmem:s19+$0x10]  }
0xe5: {  	v53 =	vld [tilespmem:s19+$0x20]  }
0xe6: {  	v54 =	vld [tilespmem:s19+$0x30]  }
0xe7: {  	v55 =	vld [tilespmem:s19+$0x40]  }
0xe8: {  	v62 =	vld [tilespmem:s19+$0x50];
	v12 =	vadd.f32 v12, v51  }
0xe9: {  	v63 =	vld [tilespmem:s19+$0x60];
	v13 =	vadd.f32 v13, v52  }
0xea: {  	[tilespmem:s19+$0x0] =	vst v12;
	v12 =	vadd.f32 v14, v53;
	v14 =	vld [tilespmem:s19+$0x70]  }
0xeb: {  	[tilespmem:s19+$0x10] =	vst v13;
	v13 =	vadd.f32 v15, v54;
	v15 =	vld [tilespmem:s19+$0x400]  }
0xec: {  	[tilespmem:s19+$0x20] =	vst v12;
	v12 =	vadd.f32 v16, v55;
	v16 =	vld [tilespmem:s19+$0x410]  }
0xed: {  	[tilespmem:s19+$0x30] =	vst v13;
	v13 =	vadd.f32 v17, v62;
	v17 =	vld [tilespmem:s19+$0x420]  }
0xee: {  	v5 =	vld [tilespmem:s19+$0xD450]  }
0xef: {  	[tilespmem:s19+$0x40] =	vst v12;
	v12 =	vadd.f32 v18, v63;
	v18 =	vld [tilespmem:s19+$0x470]  }
0xf0: {  	[tilespmem:s19+$0x50] =	vst v13;
	v13 =	vadd.f32 v19, v14;
	v14 =	vld [tilespmem:s19+$0x430]  }
0xf1: {  	[tilespmem:s19+$0x60] =	vst v12;
	v12 =	vadd.f32 v20, v15;
	v15 =	vld [tilespmem:s19+$0x440]  }
0xf2: {  	[tilespmem:s19+$0x70] =	vst v13;
	v13 =	vadd.f32 v21, v16;
	v16 =	vadd.f32 v22, v17;
	v17 =	vld [tilespmem:s19+$0x460]  }
0xf3: {  	[tilespmem:s19+$0x400] =	vst v12;
	v12 =	vld [tilespmem:s19+$0x450]  }
0xf4: {  	[tilespmem:s19+$0x410] =	vst v13;
	v13 =	vld [tilespmem:s19+$0x800];
	v18 =	vadd.f32 v27, v18  }
0xf5: {  	[tilespmem:s19+$0x420] =	vst v16;
	v16 =	vld [tilespmem:s19+$0x810];
	v14 =	vadd.f32 v23, v14  }
0xf6: {  	v4 =	vld [tilespmem:s19+$0xD460];
	v15 =	vadd.f32 v24, v15;
	[tilespmem:s19+$0x470] =	vst v18  }
0xf7: {  	[tilespmem:s19+$0x430] =	vst v14;
	v14 =	vld [tilespmem:s19+$0x820];
	v17 =	vadd.f32 v26, v17  }
0xf8: {  	v12 =	vadd.f32 v25, v12;
	[tilespmem:s19+$0x440] =	vst v15;
	v15 =	vld [tilespmem:s19+$0x830]  }
0xf9: {  	v18 =	vld [tilespmem:s19+$0x870];
	[tilespmem:s19+$0x460] =	vst v17;
	v13 =	vadd.f32 v28, v13  }
0xfa: {  	v16 =	vadd.f32 v29, v16;
	[tilespmem:s19+$0x450] =	vst v12;
	v12 =	vld [tilespmem:s19+$0x840]  }
0xfb: {  	v17 =	vld [tilespmem:s19+$0x850];
	[tilespmem:s19+$0x800] =	vst v13  }
0xfc: {  	[tilespmem:s19+$0x810] =	vst v16;
	v16 =	vld [tilespmem:s19+$0x860];
	v13 =	vadd.f32 v30, v14  }
0xfd: {  	v14 =	vld [tilespmem:s19+$0xC00];
	v15 =	vadd.f32 v31, v15  }
0xfe: {  	[tilespmem:s19+$0x820] =	vst v13;
	v13 =	vld [tilespmem:s19+$0xC10]  }
0xff: {  	v12 =	vadd.f32 v32, v12;
	[tilespmem:s19+$0x830] =	vst v15;
	v15 =	vld [tilespmem:s19+$0xC20]  }
0x100: {  	v3 =	vld [tilespmem:s19+$0xD470];
	v17 =	vadd.f32 v33, v17  }
0x101: {  	v16 =	vadd.f32 v34, v16;
	[tilespmem:s19+$0x840] =	vst v12;
	v12 =	vld [tilespmem:s19+$0xC30]  }
0x102: {  	[tilespmem:s19+$0x850] =	vst v17;
	v17 =	vld [tilespmem:s19+$0xC40];
	v14 =	vadd.f32 v36, v14  }
0x103: {  	v18 =	vadd.f32 v35, v18;
	[tilespmem:s19+$0x860] =	vst v16;
	v16 =	vld [tilespmem:s19+$0xC50]  }
0x104: {  	v13 =	vadd.f32 v37, v13;
	[tilespmem:s19+$0xC00] =	vst v14;
	v14 =	vadd.f32 v38, v15;
	v15 =	vld [tilespmem:s19+$0xC60]  }
0x105: {  	[tilespmem:s19+$0x870] =	vst v18;
	v18 =	vld [tilespmem:s19+$0xC70]  }
0x106: {  	[tilespmem:s19+$0xC10] =	vst v13;
	v13 =	vld [tilespmem:s19+$0x1000];
	v12 =	vadd.f32 v39, v12  }
0x107: {  	v17 =	vadd.f32 v40, v17;
	[tilespmem:s19+$0xC20] =	vst v14;
	v14 =	vld [tilespmem:s19+$0x1010]  }
0x108: {  	v16 =	vadd.f32 v41, v16;
	[tilespmem:s19+$0xC30] =	vst v12;
	v12 =	vld [tilespmem:s19+$0x1020]  }
0x109: {  	[tilespmem:s19+$0xC40] =	vst v17;
	v17 =	vld [tilespmem:s19+$0x1030];
	v15 =	vadd.f32 v42, v15  }
0x10a: {  	v19 =	vld [tilespmem:s19+$0x1040];
	[tilespmem:s19+$0xC50] =	vst v16;
	v16 =	vadd.f32 v43, v18  }
0x10b: {  	v18 =	vld [tilespmem:s19+$0x1050];
	v13 =	vadd.f32 v44, v13;
	[tilespmem:s19+$0xC60] =	vst v15  }
0x10c: {  	v20 =	vld [tilespmem:s19+$0x1060];
	[tilespmem:s19+$0xC70] =	vst v16;
	v14 =	vadd.f32 v45, v14  }
0x10d: {  	v16 =	vld [tilespmem:s19+$0x1070];
	[tilespmem:s19+$0x1000] =	vst v13;
	v12 =	vadd.f32 v46, v12  }
0x10e: {  	v15 =	vld [tilespmem:s19+$0x1400];
	v13 =	vadd.f32 v47, v17;
	[tilespmem:s19+$0x1010] =	vst v14  }
0x10f: {  	v14 =	vld [tilespmem:s19+$0x1410];
	[tilespmem:s19+$0x1020] =	vst v12;
	v12 =	vadd.f32 v48, v19  }
0x110: {  	[tilespmem:s19+$0x1030] =	vst v13;
	v13 =	vld [tilespmem:s19+$0x1420];
	v18 =	vadd.f32 v49, v18  }
0x111: {  	s20 =	simm.s32 $0x1;
	s21 =	simm.s32 $0x0;
	v17 =	vadd.f32 v50, v20;
	[tilespmem:s19+$0x1040] =	vst v12;
	v12 =	vld [tilespmem:s19+$0x1430]  }
.LBB2_2:
0x112: {  	s22 =	sshrl.u32 s20, $0x3;
	p0 =	sne.s32 s20, $0x3F;
	[tilespmem:s19+$0x1050] =	vst v18;
	v11 =	vadd.f32 v11, v16;
	v16 =	vld [tilespmem:s19+$0x1440]  }
0x113: {  	s21 =	sadd.s32 $0x80, s21;
	s22 =	smul.u32 $0x1800, s22;
	[tilespmem:s19+$0x1060] =	vst v17;
	v10 =	vadd.f32 v10, v15;
	v15 =	vld [tilespmem:s19+$0x1450]  }
0x114: {  	s23 =	sand.u32 $0x380, s21;
	[tilespmem:s19+$0x1070] =	vst v11;
	v9 =	vadd.f32 v9, v14;
	v11 =	vld [tilespmem:s19+$0x1460]  }
0x115: {  	s22 =	sor.u32 s23, s22;
	[tilespmem:s19+$0x1400] =	vst v10;
	v8 =	vadd.f32 v8, v13;
	v10 =	vld [tilespmem:s19+$0x1470]  }
0x116: {  	v39 =	vld [tilespmem:s22+$0xC000];
	[tilespmem:s19+$0x1410] =	vst v9;
	v7 =	vadd.f32 v7, v12  }
0x117: {  	v40 =	vld [tilespmem:s22+$0xC010];
	[tilespmem:s19+$0x1420] =	vst v8;
	v6 =	vadd.f32 v6, v16  }
0x118: {  	v41 =	vld [tilespmem:s22+$0xC020];
	[tilespmem:s19+$0x1430] =	vst v7;
	v5 =	vadd.f32 v5, v15  }
0x119: {  	v42 =	vld [tilespmem:s22+$0xC030];
	[tilespmem:s19+$0x1440] =	vst v6;
	v4 =	vadd.f32 v4, v11  }
0x11a: {  	v43 =	vld [tilespmem:s22+$0xC040];
	[tilespmem:s19+$0x1450] =	vst v5;
	v3 =	vadd.f32 v3, v10  }
0x11b: {  	v44 =	vld [tilespmem:s22+$0xC050];
	[tilespmem:s19+$0x1460] =	vst v4  }
0x11c: {  	v45 =	vld [tilespmem:s22+$0xC060];
	[tilespmem:s19+$0x1470] =	vst v3;
	s19 =	smov.u32 s22  }
0x11d: {  	v46 =	vld [tilespmem:s19+$0xC070]  }
0x11e: {  	v47 =	vld [tilespmem:s19+$0xC400]  }
0x11f: {  	v48 =	vld [tilespmem:s19+$0xC410]  }
0x120: {  	v49 =	vld [tilespmem:s19+$0xC420]  }
0x121: {  	v50 =	vld [tilespmem:s19+$0xC430]  }
0x122: {  	v38 =	vld [tilespmem:s19+$0xC440]  }
0x123: {  	v37 =	vld [tilespmem:s19+$0xC450]  }
0x124: {  	v36 =	vld [tilespmem:s19+$0xC460]  }
0x125: {  	v35 =	vld [tilespmem:s19+$0xC470]  }
0x126: {  	v34 =	vld [tilespmem:s19+$0xC800]  }
0x127: {  	v33 =	vld [tilespmem:s19+$0xC810]  }
0x128: {  	v32 =	vld [tilespmem:s19+$0xC820]  }
0x129: {  	v31 =	vld [tilespmem:s19+$0xC830]  }
0x12a: {  	v30 =	vld [tilespmem:s19+$0xC840]  }
0x12b: {  	v29 =	vld [tilespmem:s19+$0xC850]  }
0x12c: {  	v28 =	vld [tilespmem:s19+$0xC860]  }
0x12d: {  	v27 =	vld [tilespmem:s19+$0xC870]  }
0x12e: {  	v26 =	vld [tilespmem:s19+$0xCC00]  }
0x12f: {  	v25 =	vld [tilespmem:s19+$0xCC10]  }
0x130: {  	v24 =	vld [tilespmem:s19+$0xCC20]  }
0x131: {  	v23 =	vld [tilespmem:s19+$0xCC30]  }
0x132: {  	v22 =	vld [tilespmem:s19+$0xCC40]  }
0x133: {  	v21 =	vld [tilespmem:s19+$0xCC50]  }
0x134: {  	v20 =	vld [tilespmem:s19+$0xCC60]  }
0x135: {  	v19 =	vld [tilespmem:s19+$0xCC70]  }
0x136: {  	v18 =	vld [tilespmem:s19+$0xD000]  }
0x137: {  	v17 =	vld [tilespmem:s19+$0xD010]  }
0x138: {  	v16 =	vld [tilespmem:s19+$0xD020]  }
0x139: {  	v15 =	vld [tilespmem:s19+$0xD030]  }
0x13a: {  	v14 =	vld [tilespmem:s19+$0xD040]  }
0x13b: {  	v13 =	vld [tilespmem:s19+$0xD050]  }
0x13c: {  	v12 =	vld [tilespmem:s19+$0xD060]  }
0x13d: {  	v11 =	vld [tilespmem:s19+$0xD070]  }
0x13e: {  	v10 =	vld [tilespmem:s19+$0xD400]  }
0x13f: {  	v9 =	vld [tilespmem:s19+$0xD410]  }
0x140: {  	v8 =	vld [tilespmem:s19+$0xD420]  }
0x141: {  	v7 =	vld [tilespmem:s19+$0xD430]  }
0x142: {  	v6 =	vld [tilespmem:s19+$0xD440]  }
0x143: {  	v5 =	vld [tilespmem:s19+$0xD450]  }
0x144: {  	v4 =	vld [tilespmem:s19+$0xD460]  }
0x145: {  	v3 =	vld [tilespmem:s19+$0xD470]  }
0x146: {  	v51 =	vld [tilespmem:s19+$0x0]  }
0x147: {  	v52 =	vld [tilespmem:s19+$0x10]  }
0x148: {  	v53 =	vld [tilespmem:s19+$0x20]  }
0x149: {  	v54 =	vld [tilespmem:s19+$0x30]  }
0x14a: {  	v55 =	vld [tilespmem:s19+$0x40]  }
0x14b: {  	v39 =	vadd.f32 v39, v51;
	v51 =	vld [tilespmem:s19+$0x50]  }
0x14c: {  	v40 =	vadd.f32 v40, v52;
	v52 =	vld [tilespmem:s19+$0x60]  }
0x14d: {  	[tilespmem:s19+$0x0] =	vst v39;
	v39 =	vadd.f32 v41, v53;
	v41 =	vld [tilespmem:s19+$0x70]  }
0x14e: {  	[tilespmem:s19+$0x10] =	vst v40;
	v40 =	vadd.f32 v42, v54;
	v42 =	vld [tilespmem:s19+$0x400]  }
0x14f: {  	[tilespmem:s19+$0x20] =	vst v39;
	v39 =	vadd.f32 v43, v55;
	v43 =	vld [tilespmem:s19+$0x410]  }
0x150: {  	[tilespmem:s19+$0x30] =	vst v40;
	v40 =	vadd.f32 v44, v51;
	v44 =	vld [tilespmem:s19+$0x420]  }
0x151: {  	[tilespmem:s19+$0x40] =	vst v39;
	v39 =	vadd.f32 v45, v52;
	v45 =	vld [tilespmem:s19+$0x430]  }
0x152: {  	[tilespmem:s19+$0x50] =	vst v40;
	v40 =	vadd.f32 v46, v41;
	v41 =	vld [tilespmem:s19+$0x440]  }
0x153: {  	[tilespmem:s19+$0x60] =	vst v39;
	v39 =	vadd.f32 v47, v42;
	v42 =	vld [tilespmem:s19+$0x450]  }
0x154: {  	[tilespmem:s19+$0x70] =	vst v40;
	v40 =	vadd.f32 v48, v43;
	v43 =	vld [tilespmem:s19+$0x460]  }
0x155: {  	[tilespmem:s19+$0x400] =	vst v39;
	v39 =	vadd.f32 v49, v44;
	v44 =	vld [tilespmem:s19+$0x470]  }
0x156: {  	[tilespmem:s19+$0x410] =	vst v40;
	v40 =	vadd.f32 v50, v45;
	v45 =	vld [tilespmem:s19+$0x800]  }
0x157: {  	[tilespmem:s19+$0x420] =	vst v39;
	v38 =	vadd.f32 v38, v41;
	v39 =	vld [tilespmem:s19+$0x810]  }
0x158: {  	[tilespmem:s19+$0x430] =	vst v40;
	v37 =	vadd.f32 v37, v42;
	v40 =	vld [tilespmem:s19+$0x820]  }
0x159: {  	[tilespmem:s19+$0x440] =	vst v38;
	v36 =	vadd.f32 v36, v43;
	v38 =	vld [tilespmem:s19+$0x830]  }
0x15a: {  	[tilespmem:s19+$0x450] =	vst v37;
	v35 =	vadd.f32 v35, v44;
	v37 =	vld [tilespmem:s19+$0x840]  }
0x15b: {  	[tilespmem:s19+$0x460] =	vst v36;
	v34 =	vadd.f32 v34, v45;
	v36 =	vld [tilespmem:s19+$0x850]  }
0x15c: {  	[tilespmem:s19+$0x470] =	vst v35;
	v33 =	vadd.f32 v33, v39;
	v35 =	vld [tilespmem:s19+$0x860]  }
0x15d: {  	[tilespmem:s19+$0x800] =	vst v34;
	v32 =	vadd.f32 v32, v40;
	v34 =	vld [tilespmem:s19+$0x870]  }
0x15e: {  	[tilespmem:s19+$0x810] =	vst v33;
	v31 =	vadd.f32 v31, v38;
	v33 =	vld [tilespmem:s19+$0xC00]  }
0x15f: {  	[tilespmem:s19+$0x820] =	vst v32;
	v30 =	vadd.f32 v30, v37;
	v32 =	vld [tilespmem:s19+$0xC10]  }
0x160: {  	[tilespmem:s19+$0x830] =	vst v31;
	v29 =	vadd.f32 v29, v36;
	v31 =	vld [tilespmem:s19+$0xC20]  }
0x161: {  	[tilespmem:s19+$0x840] =	vst v30;
	v28 =	vadd.f32 v28, v35;
	v30 =	vld [tilespmem:s19+$0xC30]  }
0x162: {  	[tilespmem:s19+$0x850] =	vst v29;
	v27 =	vadd.f32 v27, v34;
	v29 =	vld [tilespmem:s19+$0xC40]  }
0x163: {  	[tilespmem:s19+$0x860] =	vst v28;
	v26 =	vadd.f32 v26, v33;
	v28 =	vld [tilespmem:s19+$0xC50]  }
0x164: {  	[tilespmem:s19+$0x870] =	vst v27;
	v25 =	vadd.f32 v25, v32;
	v27 =	vld [tilespmem:s19+$0xC60]  }
0x165: {  	[tilespmem:s19+$0xC00] =	vst v26;
	v24 =	vadd.f32 v24, v31;
	v26 =	vld [tilespmem:s19+$0xC70]  }
0x166: {  	[tilespmem:s19+$0xC10] =	vst v25;
	v23 =	vadd.f32 v23, v30;
	v25 =	vld [tilespmem:s19+$0x1000]  }
0x167: {  	[tilespmem:s19+$0xC20] =	vst v24;
	v22 =	vadd.f32 v22, v29;
	v24 =	vld [tilespmem:s19+$0x1010]  }
0x168: {  	[tilespmem:s19+$0xC30] =	vst v23;
	v21 =	vadd.f32 v21, v28;
	v23 =	vld [tilespmem:s19+$0x1020]  }
0x169: {  	[tilespmem:s19+$0xC40] =	vst v22;
	v20 =	vadd.f32 v20, v27;
	v22 =	vld [tilespmem:s19+$0x1030]  }
0x16a: {  	[tilespmem:s19+$0xC50] =	vst v21;
	v19 =	vadd.f32 v19, v26;
	v21 =	vld [tilespmem:s19+$0x1040]  }
0x16b: {  	[tilespmem:s19+$0xC60] =	vst v20;
	v18 =	vadd.f32 v18, v25;
	v20 =	vld [tilespmem:s19+$0x1050]  }
0x16c: {  	[tilespmem:s19+$0xC70] =	vst v19;
	v17 =	vadd.f32 v17, v24;
	v19 =	vld [tilespmem:s19+$0x1060]  }
.Ltmp0:
0x16d: {  	[tilespmem:s19+$0x1000] =	vst v18;
	v18 =	vadd.f32 v16, v23;
	v16 =	vld [tilespmem:s19+$0x1070];
	(pc) =	sbr.rel @p0 .LBB2_2-.Ltmp0, $4  }
0x16e: {  	[tilespmem:s19+$0x1010] =	vst v17;
	v17 =	vadd.f32 v15, v22;
	v15 =	vld [tilespmem:s19+$0x1400]  }
0x16f: {  	[tilespmem:s19+$0x1020] =	vst v18;
	v21 =	vadd.f32 v14, v21;
	v14 =	vld [tilespmem:s19+$0x1410]  }
0x170: {  	[tilespmem:s19+$0x1030] =	vst v17;
	v18 =	vadd.f32 v13, v20;
	v13 =	vld [tilespmem:s19+$0x1420]  }
0x171: {  	s20 =	sadd.s32 $0x1, s20;
	[tilespmem:s19+$0x1040] =	vst v21;
	v17 =	vadd.f32 v12, v19;
	v12 =	vld [tilespmem:s19+$0x1430]  }
0x172: {  	[tilespmem:s19+$0x1050] =	vst v18;
	v60 =	vld [tilespmem:s19+$0x1440];
	v11 =	vadd.f32 v11, v16  }
0x173: {  	v61 =	vld [tilespmem:s19+$0x1450];
	[tilespmem:s19+$0x1060] =	vst v17;
	v10 =	vadd.f32 v10, v15  }
0x174: {  	v62 =	vld [tilespmem:s19+$0x1460];
	[tilespmem:s19+$0x1070] =	vst v11;
	v9 =	vadd.f32 v9, v14  }
0x175: {  	v63 =	vld [tilespmem:s19+$0x1470];
	[tilespmem:s19+$0x1400] =	vst v10;
	v8 =	vadd.f32 v8, v13  }
0x176: {  	[tilespmem:s19+$0x1410] =	vst v9;
	v7 =	vadd.f32 v7, v12  }
0x177: {  	[tilespmem:s19+$0x1420] =	vst v8;
	v6 =	vadd.f32 v6, v60  }
0x178: {  	v5 =	vadd.f32 v5, v61;
	[tilespmem:s19+$0x1430] =	vst v7  }
0x179: {  	v4 =	vadd.f32 v4, v62;
	[tilespmem:s19+$0x1440] =	vst v6  }
0x17a: {  	s18 =	sadd.s32 $0x1, s18;
	v3 =	vadd.f32 v3, v63;
	[tilespmem:s19+$0x1450] =	vst v5  }
0x17b: {  	p0 =	sne.s32 s18, s9;
	[tilespmem:s19+$0x1460] =	vst v4  }
.Ltmp1:
0x17c: {  	[tilespmem:s19+$0x1470] =	vst v3;
	(pc) =	sbr.rel @p0 .LBB2_1-.Ltmp1, $4  }
0x17d: {  	[hbm4b:s8+s2] =	stream.linear.scatter [tilespmem:s2], [sflag:$0x3], $0xC000, $0x38;
	[tilespmem:$0x18100] =	vst v63  }
0x17e: {  	_ =	swait.ge [sflag:s11], $0xC000  }
0x17f: {  	[sflag:s11] =	ssyncset.done $0x0  }
0x180: {  	[sflag:s11] =	ssyncadd.s32 $0xFFFF4000  }
0x181: {  	_ =	sfence.sel $0x180000  }
0x182: {  	[bflag:$0x0] =	sbarrier.arrive $0xFFFF  }
0x183: {  	_ =	strace $0x9000004A  }
0x184: {  	s0 =	stileid.u32;
	[bflag:$0x2] =	sbarrier.arrive $0xFFFF  }
0x185: {  	p0 =	sne.s32 s0, $0x0;
	s0 =	rddreg [dreg:$0x2]  }
0x186: {  	s0 =	sadd.s32 @!p0 $0x100000, s0  }
0x187: {  	[sflag:s0] =	ssyncadd.tile.s32 @!p0 $0x1;
	_ =	shalt  }
.Lfunc_end2:
_tile_overlayer_lowered:
.L_overlay_start_2:
0x188: {  	(tag) =	ssettag $0x2  }
0x189: {  	s0 =	rddreg [dreg:$0x0];
	s2 =	stileid.u32  }
0x18a: {  	s1 =	rddreg [dreg:$0x1];
	p0 =	sne.s32 s2, $0x0  }
0x18b: {  	s3 =	rddreg [dreg:$0x2];
	[bflag:$0x3] =	sbarrier.arrive $0xFFFF;
	s2 =	simm.s32 @!p0 $0x1C03  }
0x18c: {  	[timem:s3], [sflag:s2] =	dma.local @!p0 [hbm:s0], s1  }
0x18d: {  	s0 =	simm.s32 @!p0 $0x3  }
0x18e: {  	_ =	swait.ge @!p0 [sflag:s0], s1  }
0x18f: {  	s1 =	ssub.s32 @!p0 $0x0, s1;
	[sflag:s0] =	ssyncset.done @!p0 $0x0  }
0x190: {  	[sflag:s0] =	ssyncadd.s32 @!p0 s1  }
0x191: {  	[bflag:$0x3] =	sbarrier.arrive $0xFFFF  }
0x192: {  	_ =	shalt  }

</sc_bundles>
